<compile_context>
chip_gen: v7x
topology: tpu7x:2x2x1
jax: 0.10.2.dev20260603
libtpu: 0.0.44.dev20260713+nightly
codegen_flags: <defaults>
</compile_context>

<pallas_src>
import functools

import jax
import jax.numpy as jnp
from jax import lax
from jax.experimental import pallas as pl
from jax.experimental.pallas import tpu as pltpu
from jax.experimental.pallas import tpu_sc as plsc

N = 10000
M = 16
A = 256
NB = 128
S = 128
B = 128

BN = 200
GRIDC = N // BN

_NC = 2
_NS = 16
_NW = _NC * _NS


def _sigmoid(x):
    return 0.5 * jnp.tanh(0.5 * x) + 0.5


def _softplus(x):
    return jnp.maximum(x, 0.0) + jnp.log1p(jnp.exp(-jnp.abs(x)))


_CHUNK = 40
_K = 5


def _gather_body(rpw, table_hbm, idx_hbm, out_hbm, idx_v, *rest):
    bufs, sem = rest[:_K], rest[_K]
    wid = lax.axis_index("s") * _NC + lax.axis_index("c")
    base = wid * rpw
    pltpu.sync_copy(idx_hbm.at[pl.ds(base, rpw)], idx_v)
    ngroups = rpw // (_K * _CHUNK)

    def group(g, carry):
        goff = g * (_K * _CHUNK)
        copies = []
        for j in range(_K):
            copies.append(pltpu.async_copy(
                table_hbm.at[idx_v.at[pl.ds(goff + j * _CHUNK, _CHUNK)]],
                bufs[j], sem))
        for j in range(_K):
            copies[j].wait()
            pltpu.sync_copy(
                bufs[j], out_hbm.at[pl.ds(base + goff + j * _CHUNK, _CHUNK)])
        return carry

    lax.fori_loop(0, ngroups, group, 0)


def _mesh():
    return plsc.VectorSubcoreMesh(
        core_axis_name="c", subcore_axis_name="s",
        num_cores=_NC, num_subcores=_NS)


@functools.cache
def _make_gather(R):
    rpw = R // _NW
    return pl.kernel(
        functools.partial(_gather_body, rpw),
        out_type=jax.ShapeDtypeStruct((R, 128), jnp.int32),
        mesh=_mesh(),
        scratch_types=[
            pltpu.VMEM((rpw,), jnp.int32),
        ] + [pltpu.VMEM((_CHUNK, 128), jnp.int32) for _ in range(_K)]
          + [pltpu.SemaphoreType.DMA],
    )


def _pack_rows(x):
    bits = lax.bitcast_convert_type(x, jnp.uint32)
    lo = (bits[:, :128] + jnp.uint32(0x8000)) >> 16
    hi = (bits[:, 128:] + jnp.uint32(0x8000)) & jnp.uint32(0xFFFF0000)
    return lax.bitcast_convert_type(hi | lo, jnp.int32)


def _unpack_rows(p):
    bits = lax.bitcast_convert_type(p, jnp.uint32)
    lo = lax.bitcast_convert_type(bits << 16, jnp.float32)
    hi = lax.bitcast_convert_type(bits & jnp.uint32(0xFFFF0000), jnp.float32)
    return lo.astype(jnp.bfloat16), hi.astype(jnp.bfloat16)


def _pack_stage(x_ref, out_ref):
    out_ref[...] = _pack_rows(x_ref[...])


def _one_hot_t(idxc):
    return (lax.broadcasted_iota(jnp.int32, (BN, B), 1) == idxc
            ).astype(jnp.float32)


def _atom_stage(a_ref, g_ref, nbr_ref, idxc_ref, sf_ref, wself, wcat, wst,
                ba_ref, out_ref, pk_ref):
    a = a_ref[...]
    sfw = jnp.dot(sf_ref[...], wst[...], preferred_element_type=jnp.float32)
    oht = _one_hot_t(idxc_ref[...])
    base = (jnp.dot(a, wself[...], preferred_element_type=jnp.float32)
            + jnp.dot(oht, sfw, preferred_element_type=jnp.float32)
            + ba_ref[...])
    glo, ghi = _unpack_rows(g_ref[...].reshape(BN * M, 128))
    nb = nbr_ref[...].reshape(BN * M, NB)
    x = jnp.concatenate([glo, ghi, nb], axis=1)
    zz = jnp.dot(x, wcat[...], preferred_element_type=jnp.float32)
    z = zz.reshape(BN, M, 2 * A) + base[:, None, :]
    filt = z[..., :A]
    core = z[..., A:]
    acc = jnp.sum(_sigmoid(filt) * _softplus(core), axis=1)
    o = _softplus(a + acc)
    out_ref[...] = o
    pk_ref[...] = _pack_rows(o)


def _bond_stage(nbr_ref, g_ref, ao_ref, idxc_ref, idx_ref, sf_ref, wself,
                wcat, wst, bb_ref, ws_ref, bs_ref, nbr_out_ref, st_out_ref,
                acc_a, acc_b, acc_c):
    i = pl.program_id(0)

    @pl.when(i == 0)
    def _():
        acc_a[...] = jnp.zeros_like(acc_a)
        acc_b[...] = jnp.zeros_like(acc_b)
        acc_c[...] = jnp.zeros_like(acc_c)

    ao = ao_ref[...]
    sf = sf_ref[...]
    sfw = jnp.dot(sf, wst[...], preferred_element_type=jnp.float32)
    oht = _one_hot_t(idxc_ref[...])
    ub = (jnp.dot(ao, wself[...], preferred_element_type=jnp.float32)
          + jnp.dot(oht, sfw, preferred_element_type=jnp.float32)
          + bb_ref[...])
    glo, ghi = _unpack_rows(g_ref[...].reshape(BN * M, 128))
    nb3 = nbr_ref[...]
    nb = nb3.reshape(BN * M, NB).astype(jnp.bfloat16)
    x = jnp.concatenate([glo, ghi, nb], axis=1)
    zz = jnp.dot(x, wcat[...], preferred_element_type=jnp.float32)
    z = zz.reshape(BN, M, 2 * NB) + ub[:, None, :]
    filt = z[..., :NB]
    core = z[..., NB:]
    no = _softplus(nb3 + _sigmoid(filt) * _softplus(core))
    nbr_out_ref[...] = no

    bm = jnp.mean(no, axis=1)
    idx_t = idx_ref[...].reshape(1, BN)
    oh = (lax.broadcasted_iota(jnp.int32, (B, BN), 0) == idx_t
          ).astype(jnp.float32)
    acc_a[...] = acc_a[...] + jnp.dot(oh, ao, preferred_element_type=jnp.float32)
    acc_b[...] = acc_b[...] + jnp.dot(oh, bm, preferred_element_type=jnp.float32)
    acc_c[...] = acc_c[...] + jnp.sum(oh, axis=1, keepdims=True)

    @pl.when(i == GRIDC - 1)
    def _():
        cnt = jnp.maximum(acc_c[...], 1.0)
        cnt_a = jnp.concatenate([cnt, cnt], axis=-1)
        ap = acc_a[...] / cnt_a
        bp = acc_b[...] / cnt
        t3 = jnp.concatenate([ap, bp, sf], axis=-1)
        st_out_ref[...] = _softplus(
            sf + jnp.dot(t3, ws_ref[...], preferred_element_type=jnp.float32)
            + bs_ref[...])


def _full(shape):
    nd = len(shape)
    return pl.BlockSpec(shape, lambda i: (0,) * nd)


def kernel(atom_fea, nbr_fea, state_fea, Wa, ba, Wb, bb, Ws, bs,
           atom_nbr_idx, node_atom_idx):
    flat_idx = atom_nbr_idx.reshape(-1).astype(jnp.int32)
    node_idx = node_atom_idx.astype(jnp.int32)

    wa_self, wa_nbr = Wa[:A], Wa[A:2 * A].astype(jnp.bfloat16)
    wa_bond, wa_st = Wa[2 * A:2 * A + NB].astype(jnp.bfloat16), Wa[2 * A + NB:]
    wb_self, wb_nbr = Wb[:A], Wb[A:2 * A].astype(jnp.bfloat16)
    wb_bond, wb_st = Wb[2 * A:2 * A + NB].astype(jnp.bfloat16), Wb[2 * A + NB:]
    wa_cat = jnp.concatenate([wa_nbr, wa_bond], axis=0)
    wb_cat = jnp.concatenate([wb_nbr, wb_bond], axis=0)
    ba2 = ba.reshape(1, 2 * A)
    bb2 = bb.reshape(1, 2 * NB)
    bs2 = bs.reshape(1, S)
    nbr_bf = nbr_fea.astype(jnp.bfloat16)
    node_idx3 = node_idx.reshape(GRIDC, 1, BN)
    node_idxc = node_idx.reshape(N, 1)

    gather = _make_gather(N * M)

    table1 = pl.pallas_call(
        _pack_stage,
        grid=(GRIDC,),
        in_specs=[pl.BlockSpec((BN, A), lambda i: (i, 0))],
        out_specs=pl.BlockSpec((BN, 128), lambda i: (i, 0)),
        out_shape=jax.ShapeDtypeStruct((N, 128), jnp.int32),
    )(atom_fea)

    g1 = gather(table1, flat_idx).reshape(N, M, 128)

    atom_out, table2 = pl.pallas_call(
        _atom_stage,
        grid=(GRIDC,),
        in_specs=[
            pl.BlockSpec((BN, A), lambda i: (i, 0)),
            pl.BlockSpec((BN, M, 128), lambda i: (i, 0, 0)),
            pl.BlockSpec((BN, M, NB), lambda i: (i, 0, 0)),
            pl.BlockSpec((BN, 1), lambda i: (i, 0)),
            _full((B, S)),
            _full((A, 2 * A)),
            _full((A + NB, 2 * A)),
            _full((S, 2 * A)),
            _full((1, 2 * A)),
        ],
        out_specs=[
            pl.BlockSpec((BN, A), lambda i: (i, 0)),
            pl.BlockSpec((BN, 128), lambda i: (i, 0)),
        ],
        out_shape=[
            jax.ShapeDtypeStruct((N, A), jnp.float32),
            jax.ShapeDtypeStruct((N, 128), jnp.int32),
        ],
    )(atom_fea, g1, nbr_bf, node_idxc, state_fea,
      wa_self, wa_cat, wa_st, ba2)

    g2 = gather(table2, flat_idx).reshape(N, M, 128)

    nbr_out, state_out = pl.pallas_call(
        _bond_stage,
        grid=(GRIDC,),
        in_specs=[
            pl.BlockSpec((BN, M, NB), lambda i: (i, 0, 0)),
            pl.BlockSpec((BN, M, 128), lambda i: (i, 0, 0)),
            pl.BlockSpec((BN, A), lambda i: (i, 0)),
            pl.BlockSpec((BN, 1), lambda i: (i, 0)),
            pl.BlockSpec((1, 1, BN), lambda i: (i, 0, 0)),
            _full((B, S)),
            _full((A, 2 * NB)),
            _full((A + NB, 2 * NB)),
            _full((S, 2 * NB)),
            _full((1, 2 * NB)),
            _full((A + NB + S, S)),
            _full((1, S)),
        ],
        out_specs=[
            pl.BlockSpec((BN, M, NB), lambda i: (i, 0, 0)),
            pl.BlockSpec((B, S), lambda i: (0, 0)),
        ],
        out_shape=[
            jax.ShapeDtypeStruct((N, M, NB), jnp.float32),
            jax.ShapeDtypeStruct((B, S), jnp.float32),
        ],
        scratch_shapes=[
            pltpu.VMEM((B, A), jnp.float32),
            pltpu.VMEM((B, NB), jnp.float32),
            pltpu.VMEM((B, NB), jnp.float32),
        ],
    )(nbr_fea, g2, atom_out, node_idxc, node_idx3, state_fea,
      wb_self, wb_cat, wb_st, bb2, Ws, bs2)

    return atom_out, nbr_out, state_out

# --- scband reference (transcript-rebuilt; emitter-appended) ---
"""Pipeline reference for scband-block-23922967839314 (READ-ONLY COPY).

The authoritative reference and input builder live on the scoring server;
editing this copy changes nothing except your own understanding.
"""

import jax, jax.numpy as jnp
import numpy as np

N = 10000
M = 16
A = 256
NB = 128
S = 128
B = 128


def setup_inputs(seed: int = 0) -> dict:
    key = jax.random.key(seed)
    ks = jax.random.split(key, 10)
    atom_fea = jax.random.normal(ks[0], (N, A), dtype=jnp.float32)
    nbr_fea = jax.random.normal(ks[1], (N, M, NB), dtype=jnp.float32)
    state_fea = jax.random.normal(ks[2], (B, S), dtype=jnp.float32)
    atom_nbr_idx = jax.random.randint(ks[3], (N, M), 0, N, dtype=jnp.int64 if jax.config.jax_enable_x64 else jnp.int32)
    node_atom_idx = jnp.sort(jax.random.randint(ks[4], (N,), 0, B, dtype=jnp.int64 if jax.config.jax_enable_x64 else jnp.int32))
    d_in = 2 * A + NB + S
    Wa = jax.random.normal(ks[5], (d_in, 2 * A), dtype=jnp.float32) / np.sqrt(d_in)
    ba = jnp.zeros((2 * A,), dtype=jnp.float32)
    Wb = jax.random.normal(ks[6], (d_in, 2 * NB), dtype=jnp.float32) / np.sqrt(d_in)
    bb = jnp.zeros((2 * NB,), dtype=jnp.float32)
    d_s = A + NB + S
    Ws = jax.random.normal(ks[7], (d_s, S), dtype=jnp.float32) / np.sqrt(d_s)
    bs = jnp.zeros((S,), dtype=jnp.float32)
    return {"atom_fea": atom_fea, "nbr_fea": nbr_fea, "state_fea": state_fea,
            "Wa": Wa, "ba": ba, "Wb": Wb, "bb": bb, "Ws": Ws, "bs": bs,
            "atom_nbr_idx": atom_nbr_idx, "node_atom_idx": node_atom_idx}


def _block(atom_fea, nbr_fea, state_fea, Wa, ba, Wb, bb, Ws, bs, atom_nbr_idx, node_atom_idx):
    n, m = atom_nbr_idx.shape
    bc = state_fea.shape[0]
    # ---- AtomLayer: CGCNN/MEGNet-style gated neighbor aggregation ----
    nbr_atom = atom_fea[atom_nbr_idx]                                   # gather [n, m, A]
    self_exp = jnp.broadcast_to(atom_fea[:, None, :], (n, m, atom_fea.shape[1]))
    st_per_atom = state_fea[node_atom_idx]                              # gather [n, S]
    st_exp = jnp.broadcast_to(st_per_atom[:, None, :], (n, m, st_per_atom.shape[1]))
    total = jnp.concatenate([self_exp, nbr_atom, nbr_fea, st_exp], axis=-1)
    z = total @ Wa + ba
    filt, core = jnp.split(z, 2, axis=-1)
    atom_out = jax.nn.softplus(atom_fea + (jax.nn.sigmoid(filt) * jax.nn.softplus(core)).sum(axis=1))
    # ---- BondLayer: per-pair gated update using refreshed atom features ----
    nbr_atom2 = atom_out[atom_nbr_idx]
    self_exp2 = jnp.broadcast_to(atom_out[:, None, :], (n, m, atom_out.shape[1]))
    total2 = jnp.concatenate([self_exp2, nbr_atom2, nbr_fea, st_exp], axis=-1)
    z2 = total2 @ Wb + bb
    filt2, core2 = jnp.split(z2, 2, axis=-1)
    nbr_out = jax.nn.softplus(nbr_fea + jax.nn.sigmoid(filt2) * jax.nn.softplus(core2))
    # ---- StateLayer: pooled atom/bond features per crystal + residual update ----
    counts = jnp.maximum(jax.ops.segment_sum(jnp.ones((n,), dtype=atom_out.dtype), node_atom_idx, num_segments=bc), 1.0)
    atom_pool = jax.ops.segment_sum(atom_out, node_atom_idx, num_segments=bc) / counts[:, None]
    bond_pool = jax.ops.segment_sum(nbr_out.mean(axis=1), node_atom_idx, num_segments=bc) / counts[:, None]
    total3 = jnp.concatenate([atom_pool, bond_pool, state_fea], axis=-1)
    state_out = jax.nn.softplus(state_fea + total3 @ Ws + bs)
    return atom_out, nbr_out, state_out


def reference(atom_fea, nbr_fea, state_fea, Wa, ba, Wb, bb, Ws, bs, atom_nbr_idx, node_atom_idx):
    return _block(atom_fea, nbr_fea, state_fea, Wa, ba, Wb, bb, Ws, bs, atom_nbr_idx, node_atom_idx)

if __name__ == "__main__":
    import jax
    _d = setup_inputs()
    print(jax.jit(kernel)(*tuple(_d.values())))

</pallas_src>

<mosaic_0001>
#map = affine_map<(d0, d1) -> (0, 0)>
#map1 = affine_map<(d0, d1) -> (0)>
module attributes {stable_mosaic.version = 14 : i64} {
  func.func @_gather_body(%arg0: i32, %arg1: i32, %arg2: memref<10000x128xi32, #tpu.memory_space<hbm>>, %arg3: memref<160000xi32, #tpu.memory_space<hbm>>, %arg4: memref<160000x128xi32, #tpu.memory_space<hbm>>, %arg5: memref<5000xi32, #tpu.memory_space<vmem>>, %arg6: memref<40x128xi32, #tpu.memory_space<vmem>>, %arg7: memref<40x128xi32, #tpu.memory_space<vmem>>, %arg8: memref<40x128xi32, #tpu.memory_space<vmem>>, %arg9: memref<40x128xi32, #tpu.memory_space<vmem>>, %arg10: memref<40x128xi32, #tpu.memory_space<vmem>>, %arg11: memref<!tpu.dma_semaphore, #tpu.memory_space<semaphore_mem>>) attributes {dimension_semantics = [#tpu.dimension_semantics<core_parallel>, #tpu.dimension_semantics<subcore_parallel>], iteration_bounds = array<i64: 2, 16>, scalar_prefetch = 0 : i64, scratch_operands = 7 : i64, tpu.core_type = #tpu.core_type<sc_vector_subcore>, window_params = [{transform_indices = #map}, {transform_indices = #map1}, {transform_indices = #map}]} {
    %mul3A = arith.constant 2 : i32
    %mul3A_0 = arith.muli %arg1, %mul3A : i32
    %add3A = arith.addi %mul3A_0, %arg0 : i32
    %mul3A_1 = arith.constant 5000 : i32
    %mul3A_2 = arith.muli %add3A, %mul3A_1 : i32
    "tpu.region"() ({
      %run_scoped3A = tpu.sem_alloc : memref<!tpu.dma_semaphore, #tpu.memory_space<semaphore_mem>>
      %dma_start3A = tpu.memref_slice %arg3[%mul3A_2] : memref<160000xi32, #tpu.memory_space<hbm>> -> memref<5000xi32, #tpu.memory_space<hbm>>
      %dma_start3A_8 = tpu.memref_slice %arg3[%mul3A_2] : memref<160000xi32, #tpu.memory_space<hbm>> -> memref<5000xi32, #tpu.memory_space<hbm>>
      tpu.enqueue_dma source(%dma_start3A_8 : memref<5000xi32, #tpu.memory_space<hbm>>) target(%arg5 : memref<5000xi32, #tpu.memory_space<vmem>>) target_semaphore(%run_scoped3A : memref<!tpu.dma_semaphore, #tpu.memory_space<semaphore_mem>>)
      %dma_wait3A = tpu.memref_slice %arg3[%mul3A_2] : memref<160000xi32, #tpu.memory_space<hbm>> -> memref<5000xi32, #tpu.memory_space<hbm>>
      %dma_wait3A_9 = tpu.memref_slice %arg3[%mul3A_2] : memref<160000xi32, #tpu.memory_space<hbm>> -> memref<5000xi32, #tpu.memory_space<hbm>>
      tpu.wait_dma2 semaphore(%run_scoped3A : memref<!tpu.dma_semaphore, #tpu.memory_space<semaphore_mem>>) src(%dma_wait3A_9 : memref<5000xi32, #tpu.memory_space<hbm>>) dst(%arg5 : memref<5000xi32, #tpu.memory_space<vmem>>)
      tpu.yield
    }) : () -> ()
    %scan3A = arith.constant 0 : i32
    %scan3A_3 = arith.constant 0 : i32
    %scan3A_4 = arith.constant 25 : i32
    %scan3A_5 = arith.addi %scan3A_3, %scan3A_4 : i32
    %scan3A_6 = arith.constant 1 : i32
    scf.for %scan3A_8 = %scan3A_3 to %scan3A_5 step %scan3A_6  : i32 {
      %mul3A_9 = arith.constant 200 : i32
      %mul3A_10 = arith.muli %scan3A_8, %mul3A_9 : i32
      %add3A_11 = arith.constant 0 : i32
      %add3A_12 = arith.addi %mul3A_10, %add3A_11 : i32
      %dma_start3A = tpu.memref_slice %arg5[%add3A_12] : memref<5000xi32, #tpu.memory_space<vmem>> -> memref<40xi32, #tpu.memory_space<vmem>>
      %dma_start3A_13 = arith.constant 0 : i32
      %dma_start3A_14 = arith.constant 0 : i32
      %dma_start3A_15 = tpu.memref_slice %arg2[%dma_start3A_13, %dma_start3A_14] : memref<10000x128xi32, #tpu.memory_space<hbm>> -> memref<10000x128xi32, #tpu.memory_space<hbm>>
      tpu.enqueue_indirect_dma source(%dma_start3A_15 : memref<10000x128xi32, #tpu.memory_space<hbm>>) target(%arg6 : memref<40x128xi32, #tpu.memory_space<vmem>>) offsets(%dma_start3A : memref<40xi32, #tpu.memory_space<vmem>>) semaphore(%arg11 : memref<!tpu.dma_semaphore, #tpu.memory_space<semaphore_mem>>)
      %add3A_16 = arith.constant 40 : i32
      %add3A_17 = arith.addi %mul3A_10, %add3A_16 : i32
      %dma_start3A_18 = tpu.memref_slice %arg5[%add3A_17] : memref<5000xi32, #tpu.memory_space<vmem>> -> memref<40xi32, #tpu.memory_space<vmem>>
      %dma_start3A_19 = arith.constant 0 : i32
      %dma_start3A_20 = arith.constant 0 : i32
      %dma_start3A_21 = tpu.memref_slice %arg2[%dma_start3A_19, %dma_start3A_20] : memref<10000x128xi32, #tpu.memory_space<hbm>> -> memref<10000x128xi32, #tpu.memory_space<hbm>>
      tpu.enqueue_indirect_dma source(%dma_start3A_21 : memref<10000x128xi32, #tpu.memory_space<hbm>>) target(%arg7 : memref<40x128xi32, #tpu.memory_space<vmem>>) offsets(%dma_start3A_18 : memref<40xi32, #tpu.memory_space<vmem>>) semaphore(%arg11 : memref<!tpu.dma_semaphore, #tpu.memory_space<semaphore_mem>>)
      %add3A_22 = arith.constant 80 : i32
      %add3A_23 = arith.addi %mul3A_10, %add3A_22 : i32
      %dma_start3A_24 = tpu.memref_slice %arg5[%add3A_23] : memref<5000xi32, #tpu.memory_space<vmem>> -> memref<40xi32, #tpu.memory_space<vmem>>
      %dma_start3A_25 = arith.constant 0 : i32
      %dma_start3A_26 = arith.constant 0 : i32
      %dma_start3A_27 = tpu.memref_slice %arg2[%dma_start3A_25, %dma_start3A_26] : memref<10000x128xi32, #tpu.memory_space<hbm>> -> memref<10000x128xi32, #tpu.memory_space<hbm>>
      tpu.enqueue_indirect_dma source(%dma_start3A_27 : memref<10000x128xi32, #tpu.memory_space<hbm>>) target(%arg8 : memref<40x128xi32, #tpu.memory_space<vmem>>) offsets(%dma_start3A_24 : memref<40xi32, #tpu.memory_space<vmem>>) semaphore(%arg11 : memref<!tpu.dma_semaphore, #tpu.memory_space<semaphore_mem>>)
      %add3A_28 = arith.constant 120 : i32
      %add3A_29 = arith.addi %mul3A_10, %add3A_28 : i32
      %dma_start3A_30 = tpu.memref_slice %arg5[%add3A_29] : memref<5000xi32, #tpu.memory_space<vmem>> -> memref<40xi32, #tpu.memory_space<vmem>>
      %dma_start3A_31 = arith.constant 0 : i32
      %dma_start3A_32 = arith.constant 0 : i32
      %dma_start3A_33 = tpu.memref_slice %arg2[%dma_start3A_31, %dma_start3A_32] : memref<10000x128xi32, #tpu.memory_space<hbm>> -> memref<10000x128xi32, #tpu.memory_space<hbm>>
      tpu.enqueue_indirect_dma source(%dma_start3A_33 : memref<10000x128xi32, #tpu.memory_space<hbm>>) target(%arg9 : memref<40x128xi32, #tpu.memory_space<vmem>>) offsets(%dma_start3A_30 : memref<40xi32, #tpu.memory_space<vmem>>) semaphore(%arg11 : memref<!tpu.dma_semaphore, #tpu.memory_space<semaphore_mem>>)
      %add3A_34 = arith.constant 160 : i32
      %add3A_35 = arith.addi %mul3A_10, %add3A_34 : i32
      %dma_start3A_36 = tpu.memref_slice %arg5[%add3A_35] : memref<5000xi32, #tpu.memory_space<vmem>> -> memref<40xi32, #tpu.memory_space<vmem>>
      %dma_start3A_37 = arith.constant 0 : i32
      %dma_start3A_38 = arith.constant 0 : i32
      %dma_start3A_39 = tpu.memref_slice %arg2[%dma_start3A_37, %dma_start3A_38] : memref<10000x128xi32, #tpu.memory_space<hbm>> -> memref<10000x128xi32, #tpu.memory_space<hbm>>
      tpu.enqueue_indirect_dma source(%dma_start3A_39 : memref<10000x128xi32, #tpu.memory_space<hbm>>) target(%arg10 : memref<40x128xi32, #tpu.memory_space<vmem>>) offsets(%dma_start3A_36 : memref<40xi32, #tpu.memory_space<vmem>>) semaphore(%arg11 : memref<!tpu.dma_semaphore, #tpu.memory_space<semaphore_mem>>)
      %dma_wait3A = tpu.memref_slice %arg5[%add3A_12] : memref<5000xi32, #tpu.memory_space<vmem>> -> memref<40xi32, #tpu.memory_space<vmem>>
      %dma_wait3A_40 = arith.constant 0 : i32
      %dma_wait3A_41 = arith.constant 0 : i32
      %dma_wait3A_42 = tpu.memref_slice %arg2[%dma_wait3A_40, %dma_wait3A_41] : memref<10000x128xi32, #tpu.memory_space<hbm>> -> memref<10000x128xi32, #tpu.memory_space<hbm>>
      tpu.wait_indirect_dma semaphore(%arg11 : memref<!tpu.dma_semaphore, #tpu.memory_space<semaphore_mem>>) src(%dma_wait3A_42 : memref<10000x128xi32, #tpu.memory_space<hbm>>) dst(%arg6 : memref<40x128xi32, #tpu.memory_space<vmem>>)
      %add3A_43 = arith.addi %mul3A_2, %mul3A_10 : i32
      %add3A_44 = arith.constant 0 : i32
      %add3A_45 = arith.addi %add3A_43, %add3A_44 : i32
      "tpu.region"() ({
        %run_scoped3A = tpu.sem_alloc : memref<!tpu.dma_semaphore, #tpu.memory_space<semaphore_mem>>
        %dma_start3A_74 = arith.constant 0 : i32
        %dma_start3A_75 = tpu.memref_slice %arg4[%add3A_45, %dma_start3A_74] : memref<160000x128xi32, #tpu.memory_space<hbm>> -> memref<40x128xi32, #tpu.memory_space<hbm>>
        %dma_start3A_76 = arith.constant 0 : i32
        %dma_start3A_77 = tpu.memref_slice %arg4[%add3A_45, %dma_start3A_76] : memref<160000x128xi32, #tpu.memory_space<hbm>> -> memref<40x128xi32, #tpu.memory_space<hbm>>
        tpu.enqueue_dma source(%arg6 : memref<40x128xi32, #tpu.memory_space<vmem>>) target(%dma_start3A_77 : memref<40x128xi32, #tpu.memory_space<hbm>>) target_semaphore(%run_scoped3A : memref<!tpu.dma_semaphore, #tpu.memory_space<semaphore_mem>>)
        %dma_wait3A_78 = arith.constant 0 : i32
        %dma_wait3A_79 = tpu.memref_slice %arg4[%add3A_45, %dma_wait3A_78] : memref<160000x128xi32, #tpu.memory_space<hbm>> -> memref<40x128xi32, #tpu.memory_space<hbm>>
        %dma_wait3A_80 = arith.constant 0 : i32
        %dma_wait3A_81 = tpu.memref_slice %arg4[%add3A_45, %dma_wait3A_80] : memref<160000x128xi32, #tpu.memory_space<hbm>> -> memref<40x128xi32, #tpu.memory_space<hbm>>
        tpu.wait_dma2 semaphore(%run_scoped3A : memref<!tpu.dma_semaphore, #tpu.memory_space<semaphore_mem>>) src(%arg6 : memref<40x128xi32, #tpu.memory_space<vmem>>) dst(%dma_wait3A_81 : memref<40x128xi32, #tpu.memory_space<hbm>>)
        tpu.yield
      }) : () -> ()
      %dma_wait3A_46 = tpu.memref_slice %arg5[%add3A_17] : memref<5000xi32, #tpu.memory_space<vmem>> -> memref<40xi32, #tpu.memory_space<vmem>>
      %dma_wait3A_47 = arith.constant 0 : i32
      %dma_wait3A_48 = arith.constant 0 : i32
      %dma_wait3A_49 = tpu.memref_slice %arg2[%dma_wait3A_47, %dma_wait3A_48] : memref<10000x128xi32, #tpu.memory_space<hbm>> -> memref<10000x128xi32, #tpu.memory_space<hbm>>
      tpu.wait_indirect_dma semaphore(%arg11 : memref<!tpu.dma_semaphore, #tpu.memory_space<semaphore_mem>>) src(%dma_wait3A_49 : memref<10000x128xi32, #tpu.memory_space<hbm>>) dst(%arg7 : memref<40x128xi32, #tpu.memory_space<vmem>>)
      %add3A_50 = arith.addi %mul3A_2, %mul3A_10 : i32
      %add3A_51 = arith.constant 40 : i32
      %add3A_52 = arith.addi %add3A_50, %add3A_51 : i32
      "tpu.region"() ({
        %run_scoped3A = tpu.sem_alloc : memref<!tpu.dma_semaphore, #tpu.memory_space<semaphore_mem>>
        %dma_start3A_74 = arith.constant 0 : i32
        %dma_start3A_75 = tpu.memref_slice %arg4[%add3A_52, %dma_start3A_74] : memref<160000x128xi32, #tpu.memory_space<hbm>> -> memref<40x128xi32, #tpu.memory_space<hbm>>
        %dma_start3A_76 = arith.constant 0 : i32
        %dma_start3A_77 = tpu.memref_slice %arg4[%add3A_52, %dma_start3A_76] : memref<160000x128xi32, #tpu.memory_space<hbm>> -> memref<40x128xi32, #tpu.memory_space<hbm>>
        tpu.enqueue_dma source(%arg7 : memref<40x128xi32, #tpu.memory_space<vmem>>) target(%dma_start3A_77 : memref<40x128xi32, #tpu.memory_space<hbm>>) target_semaphore(%run_scoped3A : memref<!tpu.dma_semaphore, #tpu.memory_space<semaphore_mem>>)
        %dma_wait3A_78 = arith.constant 0 : i32
        %dma_wait3A_79 = tpu.memref_slice %arg4[%add3A_52, %dma_wait3A_78] : memref<160000x128xi32, #tpu.memory_space<hbm>> -> memref<40x128xi32, #tpu.memory_space<hbm>>
        %dma_wait3A_80 = arith.constant 0 : i32
        %dma_wait3A_81 = tpu.memref_slice %arg4[%add3A_52, %dma_wait3A_80] : memref<160000x128xi32, #tpu.memory_space<hbm>> -> memref<40x128xi32, #tpu.memory_space<hbm>>
        tpu.wait_dma2 semaphore(%run_scoped3A : memref<!tpu.dma_semaphore, #tpu.memory_space<semaphore_mem>>) src(%arg7 : memref<40x128xi32, #tpu.memory_space<vmem>>) dst(%dma_wait3A_81 : memref<40x128xi32, #tpu.memory_space<hbm>>)
        tpu.yield
      }) : () -> ()
      %dma_wait3A_53 = tpu.memref_slice %arg5[%add3A_23] : memref<5000xi32, #tpu.memory_space<vmem>> -> memref<40xi32, #tpu.memory_space<vmem>>
      %dma_wait3A_54 = arith.constant 0 : i32
      %dma_wait3A_55 = arith.constant 0 : i32
      %dma_wait3A_56 = tpu.memref_slice %arg2[%dma_wait3A_54, %dma_wait3A_55] : memref<10000x128xi32, #tpu.memory_space<hbm>> -> memref<10000x128xi32, #tpu.memory_space<hbm>>
      tpu.wait_indirect_dma semaphore(%arg11 : memref<!tpu.dma_semaphore, #tpu.memory_space<semaphore_mem>>) src(%dma_wait3A_56 : memref<10000x128xi32, #tpu.memory_space<hbm>>) dst(%arg8 : memref<40x128xi32, #tpu.memory_space<vmem>>)
      %add3A_57 = arith.addi %mul3A_2, %mul3A_10 : i32
      %add3A_58 = arith.constant 80 : i32
      %add3A_59 = arith.addi %add3A_57, %add3A_58 : i32
      "tpu.region"() ({
        %run_scoped3A = tpu.sem_alloc : memref<!tpu.dma_semaphore, #tpu.memory_space<semaphore_mem>>
        %dma_start3A_74 = arith.constant 0 : i32
        %dma_start3A_75 = tpu.memref_slice %arg4[%add3A_59, %dma_start3A_74] : memref<160000x128xi32, #tpu.memory_space<hbm>> -> memref<40x128xi32, #tpu.memory_space<hbm>>
        %dma_start3A_76 = arith.constant 0 : i32
        %dma_start3A_77 = tpu.memref_slice %arg4[%add3A_59, %dma_start3A_76] : memref<160000x128xi32, #tpu.memory_space<hbm>> -> memref<40x128xi32, #tpu.memory_space<hbm>>
        tpu.enqueue_dma source(%arg8 : memref<40x128xi32, #tpu.memory_space<vmem>>) target(%dma_start3A_77 : memref<40x128xi32, #tpu.memory_space<hbm>>) target_semaphore(%run_scoped3A : memref<!tpu.dma_semaphore, #tpu.memory_space<semaphore_mem>>)
        %dma_wait3A_78 = arith.constant 0 : i32
        %dma_wait3A_79 = tpu.memref_slice %arg4[%add3A_59, %dma_wait3A_78] : memref<160000x128xi32, #tpu.memory_space<hbm>> -> memref<40x128xi32, #tpu.memory_space<hbm>>
        %dma_wait3A_80 = arith.constant 0 : i32
        %dma_wait3A_81 = tpu.memref_slice %arg4[%add3A_59, %dma_wait3A_80] : memref<160000x128xi32, #tpu.memory_space<hbm>> -> memref<40x128xi32, #tpu.memory_space<hbm>>
        tpu.wait_dma2 semaphore(%run_scoped3A : memref<!tpu.dma_semaphore, #tpu.memory_space<semaphore_mem>>) src(%arg8 : memref<40x128xi32, #tpu.memory_space<vmem>>) dst(%dma_wait3A_81 : memref<40x128xi32, #tpu.memory_space<hbm>>)
        tpu.yield
      }) : () -> ()
      %dma_wait3A_60 = tpu.memref_slice %arg5[%add3A_29] : memref<5000xi32, #tpu.memory_space<vmem>> -> memref<40xi32, #tpu.memory_space<vmem>>
      %dma_wait3A_61 = arith.constant 0 : i32
      %dma_wait3A_62 = arith.constant 0 : i32
      %dma_wait3A_63 = tpu.memref_slice %arg2[%dma_wait3A_61, %dma_wait3A_62] : memref<10000x128xi32, #tpu.memory_space<hbm>> -> memref<10000x128xi32, #tpu.memory_space<hbm>>
      tpu.wait_indirect_dma semaphore(%arg11 : memref<!tpu.dma_semaphore, #tpu.memory_space<semaphore_mem>>) src(%dma_wait3A_63 : memref<10000x128xi32, #tpu.memory_space<hbm>>) dst(%arg9 : memref<40x128xi32, #tpu.memory_space<vmem>>)
      %add3A_64 = arith.addi %mul3A_2, %mul3A_10 : i32
      %add3A_65 = arith.constant 120 : i32
      %add3A_66 = arith.addi %add3A_64, %add3A_65 : i32
      "tpu.region"() ({
        %run_scoped3A = tpu.sem_alloc : memref<!tpu.dma_semaphore, #tpu.memory_space<semaphore_mem>>
        %dma_start3A_74 = arith.constant 0 : i32
        %dma_start3A_75 = tpu.memref_slice %arg4[%add3A_66, %dma_start3A_74] : memref<160000x128xi32, #tpu.memory_space<hbm>> -> memref<40x128xi32, #tpu.memory_space<hbm>>
        %dma_start3A_76 = arith.constant 0 : i32
        %dma_start3A_77 = tpu.memref_slice %arg4[%add3A_66, %dma_start3A_76] : memref<160000x128xi32, #tpu.memory_space<hbm>> -> memref<40x128xi32, #tpu.memory_space<hbm>>
        tpu.enqueue_dma source(%arg9 : memref<40x128xi32, #tpu.memory_space<vmem>>) target(%dma_start3A_77 : memref<40x128xi32, #tpu.memory_space<hbm>>) target_semaphore(%run_scoped3A : memref<!tpu.dma_semaphore, #tpu.memory_space<semaphore_mem>>)
        %dma_wait3A_78 = arith.constant 0 : i32
        %dma_wait3A_79 = tpu.memref_slice %arg4[%add3A_66, %dma_wait3A_78] : memref<160000x128xi32, #tpu.memory_space<hbm>> -> memref<40x128xi32, #tpu.memory_space<hbm>>
        %dma_wait3A_80 = arith.constant 0 : i32
        %dma_wait3A_81 = tpu.memref_slice %arg4[%add3A_66, %dma_wait3A_80] : memref<160000x128xi32, #tpu.memory_space<hbm>> -> memref<40x128xi32, #tpu.memory_space<hbm>>
        tpu.wait_dma2 semaphore(%run_scoped3A : memref<!tpu.dma_semaphore, #tpu.memory_space<semaphore_mem>>) src(%arg9 : memref<40x128xi32, #tpu.memory_space<vmem>>) dst(%dma_wait3A_81 : memref<40x128xi32, #tpu.memory_space<hbm>>)
        tpu.yield
      }) : () -> ()
      %dma_wait3A_67 = tpu.memref_slice %arg5[%add3A_35] : memref<5000xi32, #tpu.memory_space<vmem>> -> memref<40xi32, #tpu.memory_space<vmem>>
      %dma_wait3A_68 = arith.constant 0 : i32
      %dma_wait3A_69 = arith.constant 0 : i32
      %dma_wait3A_70 = tpu.memref_slice %arg2[%dma_wait3A_68, %dma_wait3A_69] : memref<10000x128xi32, #tpu.memory_space<hbm>> -> memref<10000x128xi32, #tpu.memory_space<hbm>>
      tpu.wait_indirect_dma semaphore(%arg11 : memref<!tpu.dma_semaphore, #tpu.memory_space<semaphore_mem>>) src(%dma_wait3A_70 : memref<10000x128xi32, #tpu.memory_space<hbm>>) dst(%arg10 : memref<40x128xi32, #tpu.memory_space<vmem>>)
      %add3A_71 = arith.addi %mul3A_2, %mul3A_10 : i32
      %add3A_72 = arith.constant 160 : i32
      %add3A_73 = arith.addi %add3A_71, %add3A_72 : i32
      "tpu.region"() ({
        %run_scoped3A = tpu.sem_alloc : memref<!tpu.dma_semaphore, #tpu.memory_space<semaphore_mem>>
        %dma_start3A_74 = arith.constant 0 : i32
        %dma_start3A_75 = tpu.memref_slice %arg4[%add3A_73, %dma_start3A_74] : memref<160000x128xi32, #tpu.memory_space<hbm>> -> memref<40x128xi32, #tpu.memory_space<hbm>>
        %dma_start3A_76 = arith.constant 0 : i32
        %dma_start3A_77 = tpu.memref_slice %arg4[%add3A_73, %dma_start3A_76] : memref<160000x128xi32, #tpu.memory_space<hbm>> -> memref<40x128xi32, #tpu.memory_space<hbm>>
        tpu.enqueue_dma source(%arg10 : memref<40x128xi32, #tpu.memory_space<vmem>>) target(%dma_start3A_77 : memref<40x128xi32, #tpu.memory_space<hbm>>) target_semaphore(%run_scoped3A : memref<!tpu.dma_semaphore, #tpu.memory_space<semaphore_mem>>)
        %dma_wait3A_78 = arith.constant 0 : i32
        %dma_wait3A_79 = tpu.memref_slice %arg4[%add3A_73, %dma_wait3A_78] : memref<160000x128xi32, #tpu.memory_space<hbm>> -> memref<40x128xi32, #tpu.memory_space<hbm>>
        %dma_wait3A_80 = arith.constant 0 : i32
        %dma_wait3A_81 = tpu.memref_slice %arg4[%add3A_73, %dma_wait3A_80] : memref<160000x128xi32, #tpu.memory_space<hbm>> -> memref<40x128xi32, #tpu.memory_space<hbm>>
        tpu.wait_dma2 semaphore(%run_scoped3A : memref<!tpu.dma_semaphore, #tpu.memory_space<semaphore_mem>>) src(%arg10 : memref<40x128xi32, #tpu.memory_space<vmem>>) dst(%dma_wait3A_81 : memref<40x128xi32, #tpu.memory_space<hbm>>)
        tpu.yield
      }) : () -> ()
    }
    %scan3A_7 = arith.constant 25 : i32
    return
  }
}

#map = affine_map<(d0, d1) -> (0, 0)>
#map1 = affine_map<(d0, d1) -> (0)>
module attributes {stable_mosaic.version = 14 : i64} {
  func.func @_gather_body(%arg0: i32, %arg1: i32, %arg2: memref<10000x128xi32, #tpu.memory_space<hbm>>, %arg3: memref<160000xi32, #tpu.memory_space<hbm>>, %arg4: memref<160000x128xi32, #tpu.memory_space<hbm>>, %arg5: memref<5000xi32, #tpu.memory_space<vmem>>, %arg6: memref<40x128xi32, #tpu.memory_space<vmem>>, %arg7: memref<40x128xi32, #tpu.memory_space<vmem>>, %arg8: memref<40x128xi32, #tpu.memory_space<vmem>>, %arg9: memref<40x128xi32, #tpu.memory_space<vmem>>, %arg10: memref<40x128xi32, #tpu.memory_space<vmem>>, %arg11: memref<!tpu.dma_semaphore, #tpu.memory_space<semaphore_mem>>) attributes {dimension_semantics = [#tpu.dimension_semantics<core_parallel>, #tpu.dimension_semantics<subcore_parallel>], iteration_bounds = array<i64: 2, 16>, scalar_prefetch = 0 : i64, scratch_operands = 7 : i64, tpu.core_type = #tpu.core_type<sc_vector_subcore>, window_params = [{transform_indices = #map}, {transform_indices = #map1}, {transform_indices = #map}]} {
    %mul3A = arith.constant 2 : i32
    %mul3A_0 = arith.muli %arg1, %mul3A : i32
    %add3A = arith.addi %mul3A_0, %arg0 : i32
    %mul3A_1 = arith.constant 5000 : i32
    %mul3A_2 = arith.muli %add3A, %mul3A_1 : i32
    "tpu.region"() ({
      %run_scoped3A = tpu.sem_alloc : memref<!tpu.dma_semaphore, #tpu.memory_space<semaphore_mem>>
      %dma_start3A = tpu.memref_slice %arg3[%mul3A_2] : memref<160000xi32, #tpu.memory_space<hbm>> -> memref<5000xi32, #tpu.memory_space<hbm>>
      %dma_start3A_8 = tpu.memref_slice %arg3[%mul3A_2] : memref<160000xi32, #tpu.memory_space<hbm>> -> memref<5000xi32, #tpu.memory_space<hbm>>
      tpu.enqueue_dma source(%dma_start3A_8 : memref<5000xi32, #tpu.memory_space<hbm>>) target(%arg5 : memref<5000xi32, #tpu.memory_space<vmem>>) target_semaphore(%run_scoped3A : memref<!tpu.dma_semaphore, #tpu.memory_space<semaphore_mem>>)
      %dma_wait3A = tpu.memref_slice %arg3[%mul3A_2] : memref<160000xi32, #tpu.memory_space<hbm>> -> memref<5000xi32, #tpu.memory_space<hbm>>
      %dma_wait3A_9 = tpu.memref_slice %arg3[%mul3A_2] : memref<160000xi32, #tpu.memory_space<hbm>> -> memref<5000xi32, #tpu.memory_space<hbm>>
      tpu.wait_dma2 semaphore(%run_scoped3A : memref<!tpu.dma_semaphore, #tpu.memory_space<semaphore_mem>>) src(%dma_wait3A_9 : memref<5000xi32, #tpu.memory_space<hbm>>) dst(%arg5 : memref<5000xi32, #tpu.memory_space<vmem>>)
      tpu.yield
    }) : () -> ()
    %scan3A = arith.constant 0 : i32
    %scan3A_3 = arith.constant 0 : i32
    %scan3A_4 = arith.constant 25 : i32
    %scan3A_5 = arith.addi %scan3A_3, %scan3A_4 : i32
    %scan3A_6 = arith.constant 1 : i32
    scf.for %scan3A_8 = %scan3A_3 to %scan3A_5 step %scan3A_6  : i32 {
      %mul3A_9 = arith.constant 200 : i32
      %mul3A_10 = arith.muli %scan3A_8, %mul3A_9 : i32
      %add3A_11 = arith.constant 0 : i32
      %add3A_12 = arith.addi %mul3A_10, %add3A_11 : i32
      %dma_start3A = tpu.memref_slice %arg5[%add3A_12] : memref<5000xi32, #tpu.memory_space<vmem>> -> memref<40xi32, #tpu.memory_space<vmem>>
      %dma_start3A_13 = arith.constant 0 : i32
      %dma_start3A_14 = arith.constant 0 : i32
      %dma_start3A_15 = tpu.memref_slice %arg2[%dma_start3A_13, %dma_start3A_14] : memref<10000x128xi32, #tpu.memory_space<hbm>> -> memref<10000x128xi32, #tpu.memory_space<hbm>>
      tpu.enqueue_indirect_dma source(%dma_start3A_15 : memref<10000x128xi32, #tpu.memory_space<hbm>>) target(%arg6 : memref<40x128xi32, #tpu.memory_space<vmem>>) offsets(%dma_start3A : memref<40xi32, #tpu.memory_space<vmem>>) semaphore(%arg11 : memref<!tpu.dma_semaphore, #tpu.memory_space<semaphore_mem>>)
      %add3A_16 = arith.constant 40 : i32
      %add3A_17 = arith.addi %mul3A_10, %add3A_16 : i32
      %dma_start3A_18 = tpu.memref_slice %arg5[%add3A_17] : memref<5000xi32, #tpu.memory_space<vmem>> -> memref<40xi32, #tpu.memory_space<vmem>>
      %dma_start3A_19 = arith.constant 0 : i32
      %dma_start3A_20 = arith.constant 0 : i32
      %dma_start3A_21 = tpu.memref_slice %arg2[%dma_start3A_19, %dma_start3A_20] : memref<10000x128xi32, #tpu.memory_space<hbm>> -> memref<10000x128xi32, #tpu.memory_space<hbm>>
      tpu.enqueue_indirect_dma source(%dma_start3A_21 : memref<10000x128xi32, #tpu.memory_space<hbm>>) target(%arg7 : memref<40x128xi32, #tpu.memory_space<vmem>>) offsets(%dma_start3A_18 : memref<40xi32, #tpu.memory_space<vmem>>) semaphore(%arg11 : memref<!tpu.dma_semaphore, #tpu.memory_space<semaphore_mem>>)
      %add3A_22 = arith.constant 80 : i32
      %add3A_23 = arith.addi %mul3A_10, %add3A_22 : i32
      %dma_start3A_24 = tpu.memref_slice %arg5[%add3A_23] : memref<5000xi32, #tpu.memory_space<vmem>> -> memref<40xi32, #tpu.memory_space<vmem>>
      %dma_start3A_25 = arith.constant 0 : i32
      %dma_start3A_26 = arith.constant 0 : i32
      %dma_start3A_27 = tpu.memref_slice %arg2[%dma_start3A_25, %dma_start3A_26] : memref<10000x128xi32, #tpu.memory_space<hbm>> -> memref<10000x128xi32, #tpu.memory_space<hbm>>
      tpu.enqueue_indirect_dma source(%dma_start3A_27 : memref<10000x128xi32, #tpu.memory_space<hbm>>) target(%arg8 : memref<40x128xi32, #tpu.memory_space<vmem>>) offsets(%dma_start3A_24 : memref<40xi32, #tpu.memory_space<vmem>>) semaphore(%arg11 : memref<!tpu.dma_semaphore, #tpu.memory_space<semaphore_mem>>)
      %add3A_28 = arith.constant 120 : i32
      %add3A_29 = arith.addi %mul3A_10, %add3A_28 : i32
      %dma_start3A_30 = tpu.memref_slice %arg5[%add3A_29] : memref<5000xi32, #tpu.memory_space<vmem>> -> memref<40xi32, #tpu.memory_space<vmem>>
      %dma_start3A_31 = arith.constant 0 : i32
      %dma_start3A_32 = arith.constant 0 : i32
      %dma_start3A_33 = tpu.memref_slice %arg2[%dma_start3A_31, %dma_start3A_32] : memref<10000x128xi32, #tpu.memory_space<hbm>> -> memref<10000x128xi32, #tpu.memory_space<hbm>>
      tpu.enqueue_indirect_dma source(%dma_start3A_33 : memref<10000x128xi32, #tpu.memory_space<hbm>>) target(%arg9 : memref<40x128xi32, #tpu.memory_space<vmem>>) offsets(%dma_start3A_30 : memref<40xi32, #tpu.memory_space<vmem>>) semaphore(%arg11 : memref<!tpu.dma_semaphore, #tpu.memory_space<semaphore_mem>>)
      %add3A_34 = arith.constant 160 : i32
      %add3A_35 = arith.addi %mul3A_10, %add3A_34 : i32
      %dma_start3A_36 = tpu.memref_slice %arg5[%add3A_35] : memref<5000xi32, #tpu.memory_space<vmem>> -> memref<40xi32, #tpu.memory_space<vmem>>
      %dma_start3A_37 = arith.constant 0 : i32
      %dma_start3A_38 = arith.constant 0 : i32
      %dma_start3A_39 = tpu.memref_slice %arg2[%dma_start3A_37, %dma_start3A_38] : memref<10000x128xi32, #tpu.memory_space<hbm>> -> memref<10000x128xi32, #tpu.memory_space<hbm>>
      tpu.enqueue_indirect_dma source(%dma_start3A_39 : memref<10000x128xi32, #tpu.memory_space<hbm>>) target(%arg10 : memref<40x128xi32, #tpu.memory_space<vmem>>) offsets(%dma_start3A_36 : memref<40xi32, #tpu.memory_space<vmem>>) semaphore(%arg11 : memref<!tpu.dma_semaphore, #tpu.memory_space<semaphore_mem>>)
      %dma_wait3A = tpu.memref_slice %arg5[%add3A_12] : memref<5000xi32, #tpu.memory_space<vmem>> -> memref<40xi32, #tpu.memory_space<vmem>>
      %dma_wait3A_40 = arith.constant 0 : i32
      %dma_wait3A_41 = arith.constant 0 : i32
      %dma_wait3A_42 = tpu.memref_slice %arg2[%dma_wait3A_40, %dma_wait3A_41] : memref<10000x128xi32, #tpu.memory_space<hbm>> -> memref<10000x128xi32, #tpu.memory_space<hbm>>
      tpu.wait_indirect_dma semaphore(%arg11 : memref<!tpu.dma_semaphore, #tpu.memory_space<semaphore_mem>>) src(%dma_wait3A_42 : memref<10000x128xi32, #tpu.memory_space<hbm>>) dst(%arg6 : memref<40x128xi32, #tpu.memory_space<vmem>>)
      %add3A_43 = arith.addi %mul3A_2, %mul3A_10 : i32
      %add3A_44 = arith.constant 0 : i32
      %add3A_45 = arith.addi %add3A_43, %add3A_44 : i32
      "tpu.region"() ({
        %run_scoped3A = tpu.sem_alloc : memref<!tpu.dma_semaphore, #tpu.memory_space<semaphore_mem>>
        %dma_start3A_74 = arith.constant 0 : i32
        %dma_start3A_75 = tpu.memref_slice %arg4[%add3A_45, %dma_start3A_74] : memref<160000x128xi32, #tpu.memory_space<hbm>> -> memref<40x128xi32, #tpu.memory_space<hbm>>
        %dma_start3A_76 = arith.constant 0 : i32
        %dma_start3A_77 = tpu.memref_slice %arg4[%add3A_45, %dma_start3A_76] : memref<160000x128xi32, #tpu.memory_space<hbm>> -> memref<40x128xi32, #tpu.memory_space<hbm>>
        tpu.enqueue_dma source(%arg6 : memref<40x128xi32, #tpu.memory_space<vmem>>) target(%dma_start3A_77 : memref<40x128xi32, #tpu.memory_space<hbm>>) target_semaphore(%run_scoped3A : memref<!tpu.dma_semaphore, #tpu.memory_space<semaphore_mem>>)
        %dma_wait3A_78 = arith.constant 0 : i32
        %dma_wait3A_79 = tpu.memref_slice %arg4[%add3A_45, %dma_wait3A_78] : memref<160000x128xi32, #tpu.memory_space<hbm>> -> memref<40x128xi32, #tpu.memory_space<hbm>>
        %dma_wait3A_80 = arith.constant 0 : i32
        %dma_wait3A_81 = tpu.memref_slice %arg4[%add3A_45, %dma_wait3A_80] : memref<160000x128xi32, #tpu.memory_space<hbm>> -> memref<40x128xi32, #tpu.memory_space<hbm>>
        tpu.wait_dma2 semaphore(%run_scoped3A : memref<!tpu.dma_semaphore, #tpu.memory_space<semaphore_mem>>) src(%arg6 : memref<40x128xi32, #tpu.memory_space<vmem>>) dst(%dma_wait3A_81 : memref<40x128xi32, #tpu.memory_space<hbm>>)
        tpu.yield
      }) : () -> ()
      %dma_wait3A_46 = tpu.memref_slice %arg5[%add3A_17] : memref<5000xi32, #tpu.memory_space<vmem>> -> memref<40xi32, #tpu.memory_space<vmem>>
      %dma_wait3A_47 = arith.constant 0 : i32
      %dma_wait3A_48 = arith.constant 0 : i32
      %dma_wait3A_49 = tpu.memref_slice %arg2[%dma_wait3A_47, %dma_wait3A_48] : memref<10000x128xi32, #tpu.memory_space<hbm>> -> memref<10000x128xi32, #tpu.memory_space<hbm>>
      tpu.wait_indirect_dma semaphore(%arg11 : memref<!tpu.dma_semaphore, #tpu.memory_space<semaphore_mem>>) src(%dma_wait3A_49 : memref<10000x128xi32, #tpu.memory_space<hbm>>) dst(%arg7 : memref<40x128xi32, #tpu.memory_space<vmem>>)
      %add3A_50 = arith.addi %mul3A_2, %mul3A_10 : i32
      %add3A_51 = arith.constant 40 : i32
      %add3A_52 = arith.addi %add3A_50, %add3A_51 : i32
      "tpu.region"() ({
        %run_scoped3A = tpu.sem_alloc : memref<!tpu.dma_semaphore, #tpu.memory_space<semaphore_mem>>
        %dma_start3A_74 = arith.constant 0 : i32
        %dma_start3A_75 = tpu.memref_slice %arg4[%add3A_52, %dma_start3A_74] : memref<160000x128xi32, #tpu.memory_space<hbm>> -> memref<40x128xi32, #tpu.memory_space<hbm>>
        %dma_start3A_76 = arith.constant 0 : i32
        %dma_start3A_77 = tpu.memref_slice %arg4[%add3A_52, %dma_start3A_76] : memref<160000x128xi32, #tpu.memory_space<hbm>> -> memref<40x128xi32, #tpu.memory_space<hbm>>
        tpu.enqueue_dma source(%arg7 : memref<40x128xi32, #tpu.memory_space<vmem>>) target(%dma_start3A_77 : memref<40x128xi32, #tpu.memory_space<hbm>>) target_semaphore(%run_scoped3A : memref<!tpu.dma_semaphore, #tpu.memory_space<semaphore_mem>>)
        %dma_wait3A_78 = arith.constant 0 : i32
        %dma_wait3A_79 = tpu.memref_slice %arg4[%add3A_52, %dma_wait3A_78] : memref<160000x128xi32, #tpu.memory_space<hbm>> -> memref<40x128xi32, #tpu.memory_space<hbm>>
        %dma_wait3A_80 = arith.constant 0 : i32
        %dma_wait3A_81 = tpu.memref_slice %arg4[%add3A_52, %dma_wait3A_80] : memref<160000x128xi32, #tpu.memory_space<hbm>> -> memref<40x128xi32, #tpu.memory_space<hbm>>
        tpu.wait_dma2 semaphore(%run_scoped3A : memref<!tpu.dma_semaphore, #tpu.memory_space<semaphore_mem>>) src(%arg7 : memref<40x128xi32, #tpu.memory_space<vmem>>) dst(%dma_wait3A_81 : memref<40x128xi32, #tpu.memory_space<hbm>>)
        tpu.yield
      }) : () -> ()
      %dma_wait3A_53 = tpu.memref_slice %arg5[%add3A_23] : memref<5000xi32, #tpu.memory_space<vmem>> -> memref<40xi32, #tpu.memory_space<vmem>>
      %dma_wait3A_54 = arith.constant 0 : i32
      %dma_wait3A_55 = arith.constant 0 : i32
      %dma_wait3A_56 = tpu.memref_slice %arg2[%dma_wait3A_54, %dma_wait3A_55] : memref<10000x128xi32, #tpu.memory_space<hbm>> -> memref<10000x128xi32, #tpu.memory_space<hbm>>
      tpu.wait_indirect_dma semaphore(%arg11 : memref<!tpu.dma_semaphore, #tpu.memory_space<semaphore_mem>>) src(%dma_wait3A_56 : memref<10000x128xi32, #tpu.memory_space<hbm>>) dst(%arg8 : memref<40x128xi32, #tpu.memory_space<vmem>>)
      %add3A_57 = arith.addi %mul3A_2, %mul3A_10 : i32
      %add3A_58 = arith.constant 80 : i32
      %add3A_59 = arith.addi %add3A_57, %add3A_58 : i32
      "tpu.region"() ({
        %run_scoped3A = tpu.sem_alloc : memref<!tpu.dma_semaphore, #tpu.memory_space<semaphore_mem>>
        %dma_start3A_74 = arith.constant 0 : i32
        %dma_start3A_75 = tpu.memref_slice %arg4[%add3A_59, %dma_start3A_74] : memref<160000x128xi32, #tpu.memory_space<hbm>> -> memref<40x128xi32, #tpu.memory_space<hbm>>
        %dma_start3A_76 = arith.constant 0 : i32
        %dma_start3A_77 = tpu.memref_slice %arg4[%add3A_59, %dma_start3A_76] : memref<160000x128xi32, #tpu.memory_space<hbm>> -> memref<40x128xi32, #tpu.memory_space<hbm>>
        tpu.enqueue_dma source(%arg8 : memref<40x128xi32, #tpu.memory_space<vmem>>) target(%dma_start3A_77 : memref<40x128xi32, #tpu.memory_space<hbm>>) target_semaphore(%run_scoped3A : memref<!tpu.dma_semaphore, #tpu.memory_space<semaphore_mem>>)
        %dma_wait3A_78 = arith.constant 0 : i32
        %dma_wait3A_79 = tpu.memref_slice %arg4[%add3A_59, %dma_wait3A_78] : memref<160000x128xi32, #tpu.memory_space<hbm>> -> memref<40x128xi32, #tpu.memory_space<hbm>>
        %dma_wait3A_80 = arith.constant 0 : i32
        %dma_wait3A_81 = tpu.memref_slice %arg4[%add3A_59, %dma_wait3A_80] : memref<160000x128xi32, #tpu.memory_space<hbm>> -> memref<40x128xi32, #tpu.memory_space<hbm>>
        tpu.wait_dma2 semaphore(%run_scoped3A : memref<!tpu.dma_semaphore, #tpu.memory_space<semaphore_mem>>) src(%arg8 : memref<40x128xi32, #tpu.memory_space<vmem>>) dst(%dma_wait3A_81 : memref<40x128xi32, #tpu.memory_space<hbm>>)
        tpu.yield
      }) : () -> ()
      %dma_wait3A_60 = tpu.memref_slice %arg5[%add3A_29] : memref<5000xi32, #tpu.memory_space<vmem>> -> memref<40xi32, #tpu.memory_space<vmem>>
      %dma_wait3A_61 = arith.constant 0 : i32
      %dma_wait3A_62 = arith.constant 0 : i32
      %dma_wait3A_63 = tpu.memref_slice %arg2[%dma_wait3A_61, %dma_wait3A_62] : memref<10000x128xi32, #tpu.memory_space<hbm>> -> memref<10000x128xi32, #tpu.memory_space<hbm>>
      tpu.wait_indirect_dma semaphore(%arg11 : memref<!tpu.dma_semaphore, #tpu.memory_space<semaphore_mem>>) src(%dma_wait3A_63 : memref<10000x128xi32, #tpu.memory_space<hbm>>) dst(%arg9 : memref<40x128xi32, #tpu.memory_space<vmem>>)
      %add3A_64 = arith.addi %mul3A_2, %mul3A_10 : i32
      %add3A_65 = arith.constant 120 : i32
      %add3A_66 = arith.addi %add3A_64, %add3A_65 : i32
      "tpu.region"() ({
        %run_scoped3A = tpu.sem_alloc : memref<!tpu.dma_semaphore, #tpu.memory_space<semaphore_mem>>
        %dma_start3A_74 = arith.constant 0 : i32
        %dma_start3A_75 = tpu.memref_slice %arg4[%add3A_66, %dma_start3A_74] : memref<160000x128xi32, #tpu.memory_space<hbm>> -> memref<40x128xi32, #tpu.memory_space<hbm>>
        %dma_start3A_76 = arith.constant 0 : i32
        %dma_start3A_77 = tpu.memref_slice %arg4[%add3A_66, %dma_start3A_76] : memref<160000x128xi32, #tpu.memory_space<hbm>> -> memref<40x128xi32, #tpu.memory_space<hbm>>
        tpu.enqueue_dma source(%arg9 : memref<40x128xi32, #tpu.memory_space<vmem>>) target(%dma_start3A_77 : memref<40x128xi32, #tpu.memory_space<hbm>>) target_semaphore(%run_scoped3A : memref<!tpu.dma_semaphore, #tpu.memory_space<semaphore_mem>>)
        %dma_wait3A_78 = arith.constant 0 : i32
        %dma_wait3A_79 = tpu.memref_slice %arg4[%add3A_66, %dma_wait3A_78] : memref<160000x128xi32, #tpu.memory_space<hbm>> -> memref<40x128xi32, #tpu.memory_space<hbm>>
        %dma_wait3A_80 = arith.constant 0 : i32
        %dma_wait3A_81 = tpu.memref_slice %arg4[%add3A_66, %dma_wait3A_80] : memref<160000x128xi32, #tpu.memory_space<hbm>> -> memref<40x128xi32, #tpu.memory_space<hbm>>
        tpu.wait_dma2 semaphore(%run_scoped3A : memref<!tpu.dma_semaphore, #tpu.memory_space<semaphore_mem>>) src(%arg9 : memref<40x128xi32, #tpu.memory_space<vmem>>) dst(%dma_wait3A_81 : memref<40x128xi32, #tpu.memory_space<hbm>>)
        tpu.yield
      }) : () -> ()
      %dma_wait3A_67 = tpu.memref_slice %arg5[%add3A_35] : memref<5000xi32, #tpu.memory_space<vmem>> -> memref<40xi32, #tpu.memory_space<vmem>>
      %dma_wait3A_68 = arith.constant 0 : i32
      %dma_wait3A_69 = arith.constant 0 : i32
      %dma_wait3A_70 = tpu.memref_slice %arg2[%dma_wait3A_68, %dma_wait3A_69] : memref<10000x128xi32, #tpu.memory_space<hbm>> -> memref<10000x128xi32, #tpu.memory_space<hbm>>
      tpu.wait_indirect_dma semaphore(%arg11 : memref<!tpu.dma_semaphore, #tpu.memory_space<semaphore_mem>>) src(%dma_wait3A_70 : memref<10000x128xi32, #tpu.memory_space<hbm>>) dst(%arg10 : memref<40x128xi32, #tpu.memory_space<vmem>>)
      %add3A_71 = arith.addi %mul3A_2, %mul3A_10 : i32
      %add3A_72 = arith.constant 160 : i32
      %add3A_73 = arith.addi %add3A_71, %add3A_72 : i32
      "tpu.region"() ({
        %run_scoped3A = tpu.sem_alloc : memref<!tpu.dma_semaphore, #tpu.memory_space<semaphore_mem>>
        %dma_start3A_74 = arith.constant 0 : i32
        %dma_start3A_75 = tpu.memref_slice %arg4[%add3A_73, %dma_start3A_74] : memref<160000x128xi32, #tpu.memory_space<hbm>> -> memref<40x128xi32, #tpu.memory_space<hbm>>
        %dma_start3A_76 = arith.constant 0 : i32
        %dma_start3A_77 = tpu.memref_slice %arg4[%add3A_73, %dma_start3A_76] : memref<160000x128xi32, #tpu.memory_space<hbm>> -> memref<40x128xi32, #tpu.memory_space<hbm>>
        tpu.enqueue_dma source(%arg10 : memref<40x128xi32, #tpu.memory_space<vmem>>) target(%dma_start3A_77 : memref<40x128xi32, #tpu.memory_space<hbm>>) target_semaphore(%run_scoped3A : memref<!tpu.dma_semaphore, #tpu.memory_space<semaphore_mem>>)
        %dma_wait3A_78 = arith.constant 0 : i32
        %dma_wait3A_79 = tpu.memref_slice %arg4[%add3A_73, %dma_wait3A_78] : memref<160000x128xi32, #tpu.memory_space<hbm>> -> memref<40x128xi32, #tpu.memory_space<hbm>>
        %dma_wait3A_80 = arith.constant 0 : i32
        %dma_wait3A_81 = tpu.memref_slice %arg4[%add3A_73, %dma_wait3A_80] : memref<160000x128xi32, #tpu.memory_space<hbm>> -> memref<40x128xi32, #tpu.memory_space<hbm>>
        tpu.wait_dma2 semaphore(%run_scoped3A : memref<!tpu.dma_semaphore, #tpu.memory_space<semaphore_mem>>) src(%arg10 : memref<40x128xi32, #tpu.memory_space<vmem>>) dst(%dma_wait3A_81 : memref<40x128xi32, #tpu.memory_space<hbm>>)
        tpu.yield
      }) : () -> ()
    }
    %scan3A_7 = arith.constant 25 : i32
    return
  }
}

module attributes {stable_mosaic.version = 14 : i64} {
  func.func @_pack_stage(%arg0: i32, %arg1: memref<200x256xf32, #tpu.memory_space<vmem>>, %arg2: memref<200x128xi32, #tpu.memory_space<vmem>>) attributes {dimension_semantics = [#tpu.dimension_semantics<arbitrary>], iteration_bounds = array<i64: 50>, scalar_prefetch = 0 : i64, scratch_operands = 0 : i64, tpu.core_type = #tpu.core_type<tc>, window_params = [{transform_indices = @transform_0, window_bounds = array<i64: 200, 256>}, {transform_indices = @transform_1, window_bounds = array<i64: 200, 128>}]} {
    %get3A = arith.constant 0 : index
    %get3A_0 = arith.constant 0 : index
    %get3A_1 = vector.load %arg1[%get3A, %get3A_0] : memref<200x256xf32, #tpu.memory_space<vmem>>, vector<200x256xf32>
    %bitcast_convert_type3A = tpu.bitcast %get3A_1 : vector<200x256xf32> -> vector<200x256xi32>
    %slice3A = vector.extract_strided_slice %bitcast_convert_type3A {offsets = [0, 0], sizes = [200, 128], strides = [1, 1]} : vector<200x256xi32> to vector<200x128xi32>
    %add3A = arith.constant 32768 : i32
    %add3A_2 = vector.broadcast %add3A : i32 to vector<200x128xi32>
    %add3A_3 = arith.addi %slice3A, %add3A_2 : vector<200x128xi32>
    %shift_right_logical3A = arith.constant 16 : i32
    %shift_right_logical3A_4 = vector.broadcast %shift_right_logical3A : i32 to vector<200x128xi32>
    %shift_right_logical3A_5 = arith.shrui %add3A_3, %shift_right_logical3A_4 : vector<200x128xi32>
    %slice3A_6 = vector.extract_strided_slice %bitcast_convert_type3A {offsets = [0, 128], sizes = [200, 128], strides = [1, 1]} : vector<200x256xi32> to vector<200x128xi32>
    %add3A_7 = arith.constant 32768 : i32
    %add3A_8 = vector.broadcast %add3A_7 : i32 to vector<200x128xi32>
    %add3A_9 = arith.addi %slice3A_6, %add3A_8 : vector<200x128xi32>
    %and3A = arith.constant -65536 : i32
    %and3A_10 = vector.broadcast %and3A : i32 to vector<200x128xi32>
    %and3A_11 = arith.andi %add3A_9, %and3A_10 : vector<200x128xi32>
    %or3A = arith.ori %and3A_11, %shift_right_logical3A_5 : vector<200x128xi32>
    %bitcast_convert_type3A_12 = tpu.bitcast %or3A : vector<200x128xi32> -> vector<200x128xi32>
    %swap3A = arith.constant 0 : index
    %swap3A_13 = arith.constant 0 : index
    %swap3A_14 = vector.load %arg2[%swap3A, %swap3A_13] : memref<200x128xi32, #tpu.memory_space<vmem>>, vector<200x128xi32>
    tpu.vector_store %arg2[%swap3A, %swap3A_13], %bitcast_convert_type3A_12 {strides = array<i32>} : memref<200x128xi32, #tpu.memory_space<vmem>>, vector<200x128xi32>,
    return
  }
  func.func @transform_0(%arg0: i32) -> (i32, i32) {
    %c0_i32 = arith.constant 0 : i32
    %c0_i32_0 = arith.constant 0 : i32
    return %arg0, %c0_i32 : i32, i32
  }
  func.func @transform_1(%arg0: i32) -> (i32, i32) {
    %c0_i32 = arith.constant 0 : i32
    %c0_i32_0 = arith.constant 0 : i32
    return %arg0, %c0_i32 : i32, i32
  }
}

module attributes {stable_mosaic.version = 14 : i64} {
  func.func @_atom_stage(%arg0: i32, %arg1: memref<200x256xf32, #tpu.memory_space<vmem>>, %arg2: memref<200x16x128xi32, #tpu.memory_space<vmem>>, %arg3: memref<200x16x128xbf16, #tpu.memory_space<vmem>>, %arg4: memref<200x1xi32, #tpu.memory_space<vmem>>, %arg5: memref<128x128xf32, #tpu.memory_space<vmem>>, %arg6: memref<256x512xf32, #tpu.memory_space<vmem>>, %arg7: memref<384x512xbf16, #tpu.memory_space<vmem>>, %arg8: memref<128x512xf32, #tpu.memory_space<vmem>>, %arg9: memref<1x512xf32, #tpu.memory_space<vmem>>, %arg10: memref<200x256xf32, #tpu.memory_space<vmem>>, %arg11: memref<200x128xi32, #tpu.memory_space<vmem>>) attributes {dimension_semantics = [#tpu.dimension_semantics<arbitrary>], iteration_bounds = array<i64: 50>, scalar_prefetch = 0 : i64, scratch_operands = 0 : i64, tpu.core_type = #tpu.core_type<tc>, window_params = [{transform_indices = @transform_0, window_bounds = array<i64: 200, 256>}, {transform_indices = @transform_1, window_bounds = array<i64: 200, 16, 128>}, {transform_indices = @transform_2, window_bounds = array<i64: 200, 16, 128>}, {transform_indices = @transform_3, window_bounds = array<i64: 200, 1>}, {pipeline_mode = #tpu.pipeline_mode<synchronous>, transform_indices = @transform_4, window_bounds = array<i64: 128, 128>}, {pipeline_mode = #tpu.pipeline_mode<synchronous>, transform_indices = @transform_5, window_bounds = array<i64: 256, 512>}, {pipeline_mode = #tpu.pipeline_mode<synchronous>, transform_indices = @transform_6, window_bounds = array<i64: 384, 512>}, {pipeline_mode = #tpu.pipeline_mode<synchronous>, transform_indices = @transform_7, window_bounds = array<i64: 128, 512>}, {pipeline_mode = #tpu.pipeline_mode<synchronous>, transform_indices = @transform_8, window_bounds = array<i64: 1, 512>}, {transform_indices = @transform_9, window_bounds = array<i64: 200, 256>}, {transform_indices = @transform_10, window_bounds = array<i64: 200, 128>}]} {
    %get3A = arith.constant 0 : index
    %get3A_0 = arith.constant 0 : index
    %get3A_1 = vector.load %arg1[%get3A, %get3A_0] : memref<200x256xf32, #tpu.memory_space<vmem>>, vector<200x256xf32>
    %get3A_2 = arith.constant 0 : index
    %get3A_3 = arith.constant 0 : index
    %get3A_4 = vector.load %arg5[%get3A_2, %get3A_3] : memref<128x128xf32, #tpu.memory_space<vmem>>, vector<128x128xf32>
    %get3A_5 = arith.constant 0 : index
    %get3A_6 = arith.constant 0 : index
    %get3A_7 = vector.load %arg8[%get3A_5, %get3A_6] : memref<128x512xf32, #tpu.memory_space<vmem>>, vector<128x512xf32>
    %dot_general3A = arith.constant dense<0.000000e+00> : vector<128x512xf32>
    %dot_general3A_8 = tpu.matmul %get3A_4, %get3A_7, %dot_general3A {dimension_numbers = #tpu.dot_dimension_numbers<[1], [0], [0], [1], [0, 0, 1, 1], [], []>, transpose_lhs_hint = false} : vector<128x128xf32>, vector<128x512xf32>, vector<128x512xf32> -> vector<128x512xf32>
    %get3A_9 = arith.constant 0 : index
    %get3A_10 = arith.constant 0 : index
    %get3A_11 = vector.load %arg4[%get3A_9, %get3A_10] : memref<200x1xi32, #tpu.memory_space<vmem>>, vector<200x1xi32>
    %iota3A = tpu.iota {dimensions = array<i32: 1>} : vector<200x128xi32>
    %eq3A = vector.broadcast %get3A_11 : vector<200x1xi32> to vector<200x128xi32>
    %eq3A_12 = arith.cmpi eq, %iota3A, %eq3A : vector<200x128xi32>
    %convert_element_type3A = arith.extui %eq3A_12 : vector<200x128xi1> to vector<200x128xi32>
    %convert_element_type3A_13 = arith.sitofp %convert_element_type3A : vector<200x128xi32> to vector<200x128xf32>
    %get3A_14 = arith.constant 0 : index
    %get3A_15 = arith.constant 0 : index
    %get3A_16 = vector.load %arg6[%get3A_14, %get3A_15] : memref<256x512xf32, #tpu.memory_space<vmem>>, vector<256x512xf32>
    %dot_general3A_17 = arith.constant dense<0.000000e+00> : vector<200x512xf32>
    %dot_general3A_18 = tpu.matmul %get3A_1, %get3A_16, %dot_general3A_17 {dimension_numbers = #tpu.dot_dimension_numbers<[1], [0], [0], [1], [0, 0, 1, 1], [], []>, transpose_lhs_hint = false} : vector<200x256xf32>, vector<256x512xf32>, vector<200x512xf32> -> vector<200x512xf32>
    %dot_general3A_19 = arith.constant dense<0.000000e+00> : vector<200x512xf32>
    %dot_general3A_20 = tpu.matmul %convert_element_type3A_13, %dot_general3A_8, %dot_general3A_19 {dimension_numbers = #tpu.dot_dimension_numbers<[1], [0], [0], [1], [0, 0, 1, 1], [], []>, transpose_lhs_hint = false} : vector<200x128xf32>, vector<128x512xf32>, vector<200x512xf32> -> vector<200x512xf32>
    %add3A = arith.addf %dot_general3A_18, %dot_general3A_20 : vector<200x512xf32>
    %get3A_21 = arith.constant 0 : index
    %get3A_22 = arith.constant 0 : index
    %get3A_23 = vector.load %arg9[%get3A_21, %get3A_22] : memref<1x512xf32, #tpu.memory_space<vmem>>, vector<1x512xf32>
    %add3A_24 = vector.broadcast %get3A_23 : vector<1x512xf32> to vector<200x512xf32>
    %add3A_25 = arith.addf %add3A, %add3A_24 : vector<200x512xf32>
    %get3A_26 = arith.constant 0 : index
    %get3A_27 = arith.constant 0 : index
    %get3A_28 = arith.constant 0 : index
    %get3A_29 = vector.load %arg2[%get3A_26, %get3A_27, %get3A_28] : memref<200x16x128xi32, #tpu.memory_space<vmem>>, vector<200x16x128xi32>
    %reshape3A = vector.shape_cast %get3A_29 : vector<200x16x128xi32> to vector<3200x128xi32>
    %bitcast_convert_type3A = tpu.bitcast %reshape3A : vector<3200x128xi32> -> vector<3200x128xi32>
    %shift_left3A = arith.constant 16 : i32
    %shift_left3A_30 = vector.broadcast %shift_left3A : i32 to vector<3200x128xi32>
    %shift_left3A_31 = arith.shli %bitcast_convert_type3A, %shift_left3A_30 : vector<3200x128xi32>
    %bitcast_convert_type3A_32 = tpu.bitcast %shift_left3A_31 : vector<3200x128xi32> -> vector<3200x128xf32>
    %and3A = arith.constant -65536 : i32
    %and3A_33 = vector.broadcast %and3A : i32 to vector<3200x128xi32>
    %and3A_34 = arith.andi %bitcast_convert_type3A, %and3A_33 : vector<3200x128xi32>
    %bitcast_convert_type3A_35 = tpu.bitcast %and3A_34 : vector<3200x128xi32> -> vector<3200x128xf32>
    %convert_element_type3A_36 = arith.truncf %bitcast_convert_type3A_32 : vector<3200x128xf32> to vector<3200x128xbf16>
    %convert_element_type3A_37 = arith.truncf %bitcast_convert_type3A_35 : vector<3200x128xf32> to vector<3200x128xbf16>
    %get3A_38 = arith.constant 0 : index
    %get3A_39 = arith.constant 0 : index
    %get3A_40 = arith.constant 0 : index
    %get3A_41 = vector.load %arg3[%get3A_38, %get3A_39, %get3A_40] : memref<200x16x128xbf16, #tpu.memory_space<vmem>>, vector<200x16x128xbf16>
    %reshape3A_42 = vector.shape_cast %get3A_41 : vector<200x16x128xbf16> to vector<3200x128xbf16>
    %concatenate3A = tpu.concatenate %convert_element_type3A_36, %convert_element_type3A_37, %reshape3A_42 in 1 : vector<3200x128xbf16>, vector<3200x128xbf16>, vector<3200x128xbf16> -> vector<3200x384xbf16>
    %get3A_43 = arith.constant 0 : index
    %get3A_44 = arith.constant 0 : index
    %get3A_45 = vector.load %arg7[%get3A_43, %get3A_44] : memref<384x512xbf16, #tpu.memory_space<vmem>>, vector<384x512xbf16>
    %dot_general3A_46 = arith.constant dense<0.000000e+00> : vector<3200x512xf32>
    %dot_general3A_47 = tpu.matmul %concatenate3A, %get3A_45, %dot_general3A_46 {dimension_numbers = #tpu.dot_dimension_numbers<[1], [0], [0], [1], [0, 0, 1, 1], [], []>, transpose_lhs_hint = false} : vector<3200x384xbf16>, vector<384x512xbf16>, vector<3200x512xf32> -> vector<3200x512xf32>
    %reshape3A_48 = vector.shape_cast %dot_general3A_47 : vector<3200x512xf32> to vector<200x16x512xf32>
    %broadcast_in_dim3A = vector.shape_cast %add3A_25 : vector<200x512xf32> to vector<200x1x512xf32>
    %add3A_49 = vector.broadcast %broadcast_in_dim3A : vector<200x1x512xf32> to vector<200x16x512xf32>
    %add3A_50 = arith.addf %reshape3A_48, %add3A_49 : vector<200x16x512xf32>
    %slice3A = vector.extract_strided_slice %add3A_50 {offsets = [0, 0, 0], sizes = [200, 16, 256], strides = [1, 1, 1]} : vector<200x16x512xf32> to vector<200x16x256xf32>
    %slice3A_51 = vector.extract_strided_slice %add3A_50 {offsets = [0, 0, 256], sizes = [200, 16, 256], strides = [1, 1, 1]} : vector<200x16x512xf32> to vector<200x16x256xf32>
    %mul3A = arith.constant 5.000000e-01 : f32
    %mul3A_52 = vector.broadcast %mul3A : f32 to vector<200x16x256xf32>
    %mul3A_53 = arith.mulf %mul3A_52, %slice3A : vector<200x16x256xf32>
    %tanh3A = math.tanh %mul3A_53 : vector<200x16x256xf32>
    %mul3A_54 = arith.constant 5.000000e-01 : f32
    %mul3A_55 = vector.broadcast %mul3A_54 : f32 to vector<200x16x256xf32>
    %mul3A_56 = arith.mulf %mul3A_55, %tanh3A : vector<200x16x256xf32>
    %add3A_57 = arith.constant 5.000000e-01 : f32
    %add3A_58 = vector.broadcast %add3A_57 : f32 to vector<200x16x256xf32>
    %add3A_59 = arith.addf %mul3A_56, %add3A_58 : vector<200x16x256xf32>
    %max3A = arith.constant 0.000000e+00 : f32
    %max3A_60 = vector.broadcast %max3A : f32 to vector<200x16x256xf32>
    %max3A_61 = arith.maximumf %slice3A_51, %max3A_60 : vector<200x16x256xf32>
    %abs3A = math.absf %slice3A_51 : vector<200x16x256xf32>
    %neg3A = arith.constant 0.000000e+00 : f32
    %neg3A_62 = vector.broadcast %neg3A : f32 to vector<200x16x256xf32>
    %neg3A_63 = arith.subf %neg3A_62, %abs3A : vector<200x16x256xf32>
    %exp3A = math.exp %neg3A_63 : vector<200x16x256xf32>
    %log1p3A = math.log1p %exp3A : vector<200x16x256xf32>
    %add3A_64 = arith.addf %max3A_61, %log1p3A : vector<200x16x256xf32>
    %mul3A_65 = arith.mulf %add3A_59, %add3A_64 : vector<200x16x256xf32>
    %reduce_sum3A = arith.constant dense<0.000000e+00> : vector<200x256xf32>
    %reduce_sum3A_66 = vector.multi_reduction <add>, %mul3A_65, %reduce_sum3A [1] : vector<200x16x256xf32> to vector<200x256xf32>
    %add3A_67 = arith.addf %get3A_1, %reduce_sum3A_66 : vector<200x256xf32>
    %max3A_68 = arith.constant 0.000000e+00 : f32
    %max3A_69 = vector.broadcast %max3A_68 : f32 to vector<200x256xf32>
    %max3A_70 = arith.maximumf %add3A_67, %max3A_69 : vector<200x256xf32>
    %abs3A_71 = math.absf %add3A_67 : vector<200x256xf32>
    %neg3A_72 = arith.constant 0.000000e+00 : f32
    %neg3A_73 = vector.broadcast %neg3A_72 : f32 to vector<200x256xf32>
    %neg3A_74 = arith.subf %neg3A_73, %abs3A_71 : vector<200x256xf32>
    %exp3A_75 = math.exp %neg3A_74 : vector<200x256xf32>
    %log1p3A_76 = math.log1p %exp3A_75 : vector<200x256xf32>
    %add3A_77 = arith.addf %max3A_70, %log1p3A_76 : vector<200x256xf32>
    %swap3A = arith.constant 0 : index
    %swap3A_78 = arith.constant 0 : index
    %swap3A_79 = vector.load %arg10[%swap3A, %swap3A_78] : memref<200x256xf32, #tpu.memory_space<vmem>>, vector<200x256xf32>
    tpu.vector_store %arg10[%swap3A, %swap3A_78], %add3A_77 {strides = array<i32>} : memref<200x256xf32, #tpu.memory_space<vmem>>, vector<200x256xf32>,
    %bitcast_convert_type3A_80 = tpu.bitcast %add3A_77 : vector<200x256xf32> -> vector<200x256xi32>
    %slice3A_81 = vector.extract_strided_slice %bitcast_convert_type3A_80 {offsets = [0, 0], sizes = [200, 128], strides = [1, 1]} : vector<200x256xi32> to vector<200x128xi32>
    %add3A_82 = arith.constant 32768 : i32
    %add3A_83 = vector.broadcast %add3A_82 : i32 to vector<200x128xi32>
    %add3A_84 = arith.addi %slice3A_81, %add3A_83 : vector<200x128xi32>
    %shift_right_logical3A = arith.constant 16 : i32
    %shift_right_logical3A_85 = vector.broadcast %shift_right_logical3A : i32 to vector<200x128xi32>
    %shift_right_logical3A_86 = arith.shrui %add3A_84, %shift_right_logical3A_85 : vector<200x128xi32>
    %slice3A_87 = vector.extract_strided_slice %bitcast_convert_type3A_80 {offsets = [0, 128], sizes = [200, 128], strides = [1, 1]} : vector<200x256xi32> to vector<200x128xi32>
    %add3A_88 = arith.constant 32768 : i32
    %add3A_89 = vector.broadcast %add3A_88 : i32 to vector<200x128xi32>
    %add3A_90 = arith.addi %slice3A_87, %add3A_89 : vector<200x128xi32>
    %and3A_91 = arith.constant -65536 : i32
    %and3A_92 = vector.broadcast %and3A_91 : i32 to vector<200x128xi32>
    %and3A_93 = arith.andi %add3A_90, %and3A_92 : vector<200x128xi32>
    %or3A = arith.ori %and3A_93, %shift_right_logical3A_86 : vector<200x128xi32>
    %bitcast_convert_type3A_94 = tpu.bitcast %or3A : vector<200x128xi32> -> vector<200x128xi32>
    %swap3A_95 = arith.constant 0 : index
    %swap3A_96 = arith.constant 0 : index
    %swap3A_97 = vector.load %arg11[%swap3A_95, %swap3A_96] : memref<200x128xi32, #tpu.memory_space<vmem>>, vector<200x128xi32>
    tpu.vector_store %arg11[%swap3A_95, %swap3A_96], %bitcast_convert_type3A_94 {strides = array<i32>} : memref<200x128xi32, #tpu.memory_space<vmem>>, vector<200x128xi32>,
    return
  }
  func.func @transform_0(%arg0: i32) -> (i32, i32) {
    %c0_i32 = arith.constant 0 : i32
    %c0_i32_0 = arith.constant 0 : i32
    return %arg0, %c0_i32 : i32, i32
  }
  func.func @transform_1(%arg0: i32) -> (i32, i32, i32) {
    %c0_i32 = arith.constant 0 : i32
    %c0_i32_0 = arith.constant 0 : i32
    %c0_i32_1 = arith.constant 0 : i32
    return %arg0, %c0_i32, %c0_i32_0 : i32, i32, i32
  }
  func.func @transform_2(%arg0: i32) -> (i32, i32, i32) {
    %c0_i32 = arith.constant 0 : i32
    %c0_i32_0 = arith.constant 0 : i32
    %c0_i32_1 = arith.constant 0 : i32
    return %arg0, %c0_i32, %c0_i32_0 : i32, i32, i32
  }
  func.func @transform_3(%arg0: i32) -> (i32, i32) {
    %c0_i32 = arith.constant 0 : i32
    %c0_i32_0 = arith.constant 0 : i32
    return %arg0, %c0_i32 : i32, i32
  }
  func.func @transform_4(%arg0: i32) -> (i32, i32) {
    %c0_i32 = arith.constant 0 : i32
    %c0_i32_0 = arith.constant 0 : i32
    %c0_i32_1 = arith.constant 0 : i32
    return %c0_i32, %c0_i32_0 : i32, i32
  }
  func.func @transform_5(%arg0: i32) -> (i32, i32) {
    %c0_i32 = arith.constant 0 : i32
    %c0_i32_0 = arith.constant 0 : i32
    %c0_i32_1 = arith.constant 0 : i32
    return %c0_i32, %c0_i32_0 : i32, i32
  }
  func.func @transform_6(%arg0: i32) -> (i32, i32) {
    %c0_i32 = arith.constant 0 : i32
    %c0_i32_0 = arith.constant 0 : i32
    %c0_i32_1 = arith.constant 0 : i32
    return %c0_i32, %c0_i32_0 : i32, i32
  }
  func.func @transform_7(%arg0: i32) -> (i32, i32) {
    %c0_i32 = arith.constant 0 : i32
    %c0_i32_0 = arith.constant 0 : i32
    %c0_i32_1 = arith.constant 0 : i32
    return %c0_i32, %c0_i32_0 : i32, i32
  }
  func.func @transform_8(%arg0: i32) -> (i32, i32) {
    %c0_i32 = arith.constant 0 : i32
    %c0_i32_0 = arith.constant 0 : i32
    %c0_i32_1 = arith.constant 0 : i32
    return %c0_i32, %c0_i32_0 : i32, i32
  }
  func.func @transform_9(%arg0: i32) -> (i32, i32) {
    %c0_i32 = arith.constant 0 : i32
    %c0_i32_0 = arith.constant 0 : i32
    return %arg0, %c0_i32 : i32, i32
  }
  func.func @transform_10(%arg0: i32) -> (i32, i32) {
    %c0_i32 = arith.constant 0 : i32
    %c0_i32_0 = arith.constant 0 : i32
    return %arg0, %c0_i32 : i32, i32
  }
}

module attributes {stable_mosaic.version = 14 : i64} {
  func.func @_bond_stage(%arg0: i32, %arg1: memref<200x16x128xf32, #tpu.memory_space<vmem>>, %arg2: memref<200x16x128xi32, #tpu.memory_space<vmem>>, %arg3: memref<200x256xf32, #tpu.memory_space<vmem>>, %arg4: memref<200x1xi32, #tpu.memory_space<vmem>>, %arg5: memref<1x1x200xi32, #tpu.memory_space<vmem>>, %arg6: memref<128x128xf32, #tpu.memory_space<vmem>>, %arg7: memref<256x256xf32, #tpu.memory_space<vmem>>, %arg8: memref<384x256xbf16, #tpu.memory_space<vmem>>, %arg9: memref<128x256xf32, #tpu.memory_space<vmem>>, %arg10: memref<1x256xf32, #tpu.memory_space<vmem>>, %arg11: memref<512x128xf32, #tpu.memory_space<vmem>>, %arg12: memref<1x128xf32, #tpu.memory_space<vmem>>, %arg13: memref<200x16x128xf32, #tpu.memory_space<vmem>>, %arg14: memref<128x128xf32, #tpu.memory_space<vmem>>, %arg15: memref<128x256xf32, #tpu.memory_space<vmem>>, %arg16: memref<128x128xf32, #tpu.memory_space<vmem>>, %arg17: memref<128x128xf32, #tpu.memory_space<vmem>>) attributes {dimension_semantics = [#tpu.dimension_semantics<arbitrary>], iteration_bounds = array<i64: 50>, scalar_prefetch = 0 : i64, scratch_operands = 3 : i64, tpu.core_type = #tpu.core_type<tc>, window_params = [{transform_indices = @transform_0, window_bounds = array<i64: 200, 16, 128>}, {transform_indices = @transform_1, window_bounds = array<i64: 200, 16, 128>}, {transform_indices = @transform_2, window_bounds = array<i64: 200, 256>}, {transform_indices = @transform_3, window_bounds = array<i64: 200, 1>}, {transform_indices = @transform_4, window_bounds = array<i64: 1, 1, 200>}, {pipeline_mode = #tpu.pipeline_mode<synchronous>, transform_indices = @transform_5, window_bounds = array<i64: 128, 128>}, {pipeline_mode = #tpu.pipeline_mode<synchronous>, transform_indices = @transform_6, window_bounds = array<i64: 256, 256>}, {pipeline_mode = #tpu.pipeline_mode<synchronous>, transform_indices = @transform_7, window_bounds = array<i64: 384, 256>}, {pipeline_mode = #tpu.pipeline_mode<synchronous>, transform_indices = @transform_8, window_bounds = array<i64: 128, 256>}, {pipeline_mode = #tpu.pipeline_mode<synchronous>, transform_indices = @transform_9, window_bounds = array<i64: 1, 256>}, {pipeline_mode = #tpu.pipeline_mode<synchronous>, transform_indices = @transform_10, window_bounds = array<i64: 512, 128>}, {pipeline_mode = #tpu.pipeline_mode<synchronous>, transform_indices = @transform_11, window_bounds = array<i64: 1, 128>}, {transform_indices = @transform_12, window_bounds = array<i64: 200, 16, 128>}, {pipeline_mode = #tpu.pipeline_mode<synchronous>, transform_indices = @transform_13, window_bounds = array<i64: 128, 128>}]} {
    %eq3A = arith.constant 0 : i32
    %eq3A_0 = arith.cmpi eq, %arg0, %eq3A : i32
    %convert_element_type3A = arith.extui %eq3A_0 : i1 to i32
    %cond3A = arith.constant 0 : i32
    %cond3A_1 = arith.cmpi ne, %convert_element_type3A, %cond3A : i32
    scf.if %cond3A_1 {
      %broadcast_in_dim3A_132 = arith.constant 0.000000e+00 : f32
      %broadcast_in_dim3A_133 = vector.broadcast %broadcast_in_dim3A_132 : f32 to vector<128x256xf32>
      %swap3A_134 = arith.constant 0 : index
      %swap3A_135 = arith.constant 0 : index
      %swap3A_136 = vector.load %arg15[%swap3A_134, %swap3A_135] : memref<128x256xf32, #tpu.memory_space<vmem>>, vector<128x256xf32>
      tpu.vector_store %arg15[%swap3A_134, %swap3A_135], %broadcast_in_dim3A_133 {strides = array<i32>} : memref<128x256xf32, #tpu.memory_space<vmem>>, vector<128x256xf32>,
      %broadcast_in_dim3A_137 = arith.constant 0.000000e+00 : f32
      %broadcast_in_dim3A_138 = vector.broadcast %broadcast_in_dim3A_137 : f32 to vector<128x128xf32>
      %swap3A_139 = arith.constant 0 : index
      %swap3A_140 = arith.constant 0 : index
      %swap3A_141 = vector.load %arg16[%swap3A_139, %swap3A_140] : memref<128x128xf32, #tpu.memory_space<vmem>>, vector<128x128xf32>
      tpu.vector_store %arg16[%swap3A_139, %swap3A_140], %broadcast_in_dim3A_138 {strides = array<i32>} : memref<128x128xf32, #tpu.memory_space<vmem>>, vector<128x128xf32>,
      %broadcast_in_dim3A_142 = arith.constant 0.000000e+00 : f32
      %broadcast_in_dim3A_143 = vector.broadcast %broadcast_in_dim3A_142 : f32 to vector<128x128xf32>
      %swap3A_144 = arith.constant 0 : index
      %swap3A_145 = arith.constant 0 : index
      %swap3A_146 = vector.load %arg17[%swap3A_144, %swap3A_145] : memref<128x128xf32, #tpu.memory_space<vmem>>, vector<128x128xf32>
      tpu.vector_store %arg17[%swap3A_144, %swap3A_145], %broadcast_in_dim3A_143 {strides = array<i32>} : memref<128x128xf32, #tpu.memory_space<vmem>>, vector<128x128xf32>,
    } else {
    }
    %get3A = arith.constant 0 : index
    %get3A_2 = arith.constant 0 : index
    %get3A_3 = vector.load %arg3[%get3A, %get3A_2] : memref<200x256xf32, #tpu.memory_space<vmem>>, vector<200x256xf32>
    %get3A_4 = arith.constant 0 : index
    %get3A_5 = arith.constant 0 : index
    %get3A_6 = vector.load %arg6[%get3A_4, %get3A_5] : memref<128x128xf32, #tpu.memory_space<vmem>>, vector<128x128xf32>
    %get3A_7 = arith.constant 0 : index
    %get3A_8 = arith.constant 0 : index
    %get3A_9 = vector.load %arg9[%get3A_7, %get3A_8] : memref<128x256xf32, #tpu.memory_space<vmem>>, vector<128x256xf32>
    %dot_general3A = arith.constant dense<0.000000e+00> : vector<128x256xf32>
    %dot_general3A_10 = tpu.matmul %get3A_6, %get3A_9, %dot_general3A {dimension_numbers = #tpu.dot_dimension_numbers<[1], [0], [0], [1], [0, 0, 1, 1], [], []>, transpose_lhs_hint = false} : vector<128x128xf32>, vector<128x256xf32>, vector<128x256xf32> -> vector<128x256xf32>
    %get3A_11 = arith.constant 0 : index
    %get3A_12 = arith.constant 0 : index
    %get3A_13 = vector.load %arg4[%get3A_11, %get3A_12] : memref<200x1xi32, #tpu.memory_space<vmem>>, vector<200x1xi32>
    %iota3A = tpu.iota {dimensions = array<i32: 1>} : vector<200x128xi32>
    %eq3A_14 = vector.broadcast %get3A_13 : vector<200x1xi32> to vector<200x128xi32>
    %eq3A_15 = arith.cmpi eq, %iota3A, %eq3A_14 : vector<200x128xi32>
    %convert_element_type3A_16 = arith.extui %eq3A_15 : vector<200x128xi1> to vector<200x128xi32>
    %convert_element_type3A_17 = arith.sitofp %convert_element_type3A_16 : vector<200x128xi32> to vector<200x128xf32>
    %get3A_18 = arith.constant 0 : index
    %get3A_19 = arith.constant 0 : index
    %get3A_20 = vector.load %arg7[%get3A_18, %get3A_19] : memref<256x256xf32, #tpu.memory_space<vmem>>, vector<256x256xf32>
    %dot_general3A_21 = arith.constant dense<0.000000e+00> : vector<200x256xf32>
    %dot_general3A_22 = tpu.matmul %get3A_3, %get3A_20, %dot_general3A_21 {dimension_numbers = #tpu.dot_dimension_numbers<[1], [0], [0], [1], [0, 0, 1, 1], [], []>, transpose_lhs_hint = false} : vector<200x256xf32>, vector<256x256xf32>, vector<200x256xf32> -> vector<200x256xf32>
    %dot_general3A_23 = arith.constant dense<0.000000e+00> : vector<200x256xf32>
    %dot_general3A_24 = tpu.matmul %convert_element_type3A_17, %dot_general3A_10, %dot_general3A_23 {dimension_numbers = #tpu.dot_dimension_numbers<[1], [0], [0], [1], [0, 0, 1, 1], [], []>, transpose_lhs_hint = false} : vector<200x128xf32>, vector<128x256xf32>, vector<200x256xf32> -> vector<200x256xf32>
    %add3A = arith.addf %dot_general3A_22, %dot_general3A_24 : vector<200x256xf32>
    %get3A_25 = arith.constant 0 : index
    %get3A_26 = arith.constant 0 : index
    %get3A_27 = vector.load %arg10[%get3A_25, %get3A_26] : memref<1x256xf32, #tpu.memory_space<vmem>>, vector<1x256xf32>
    %add3A_28 = vector.broadcast %get3A_27 : vector<1x256xf32> to vector<200x256xf32>
    %add3A_29 = arith.addf %add3A, %add3A_28 : vector<200x256xf32>
    %get3A_30 = arith.constant 0 : index
    %get3A_31 = arith.constant 0 : index
    %get3A_32 = arith.constant 0 : index
    %get3A_33 = vector.load %arg2[%get3A_30, %get3A_31, %get3A_32] : memref<200x16x128xi32, #tpu.memory_space<vmem>>, vector<200x16x128xi32>
    %reshape3A = vector.shape_cast %get3A_33 : vector<200x16x128xi32> to vector<3200x128xi32>
    %bitcast_convert_type3A = tpu.bitcast %reshape3A : vector<3200x128xi32> -> vector<3200x128xi32>
    %shift_left3A = arith.constant 16 : i32
    %shift_left3A_34 = vector.broadcast %shift_left3A : i32 to vector<3200x128xi32>
    %shift_left3A_35 = arith.shli %bitcast_convert_type3A, %shift_left3A_34 : vector<3200x128xi32>
    %bitcast_convert_type3A_36 = tpu.bitcast %shift_left3A_35 : vector<3200x128xi32> -> vector<3200x128xf32>
    %and3A = arith.constant -65536 : i32
    %and3A_37 = vector.broadcast %and3A : i32 to vector<3200x128xi32>
    %and3A_38 = arith.andi %bitcast_convert_type3A, %and3A_37 : vector<3200x128xi32>
    %bitcast_convert_type3A_39 = tpu.bitcast %and3A_38 : vector<3200x128xi32> -> vector<3200x128xf32>
    %convert_element_type3A_40 = arith.truncf %bitcast_convert_type3A_36 : vector<3200x128xf32> to vector<3200x128xbf16>
    %convert_element_type3A_41 = arith.truncf %bitcast_convert_type3A_39 : vector<3200x128xf32> to vector<3200x128xbf16>
    %get3A_42 = arith.constant 0 : index
    %get3A_43 = arith.constant 0 : index
    %get3A_44 = arith.constant 0 : index
    %get3A_45 = vector.load %arg1[%get3A_42, %get3A_43, %get3A_44] : memref<200x16x128xf32, #tpu.memory_space<vmem>>, vector<200x16x128xf32>
    %reshape3A_46 = vector.shape_cast %get3A_45 : vector<200x16x128xf32> to vector<3200x128xf32>
    %convert_element_type3A_47 = arith.truncf %reshape3A_46 : vector<3200x128xf32> to vector<3200x128xbf16>
    %concatenate3A = tpu.concatenate %convert_element_type3A_40, %convert_element_type3A_41, %convert_element_type3A_47 in 1 : vector<3200x128xbf16>, vector<3200x128xbf16>, vector<3200x128xbf16> -> vector<3200x384xbf16>
    %get3A_48 = arith.constant 0 : index
    %get3A_49 = arith.constant 0 : index
    %get3A_50 = vector.load %arg8[%get3A_48, %get3A_49] : memref<384x256xbf16, #tpu.memory_space<vmem>>, vector<384x256xbf16>
    %dot_general3A_51 = arith.constant dense<0.000000e+00> : vector<3200x256xf32>
    %dot_general3A_52 = tpu.matmul %concatenate3A, %get3A_50, %dot_general3A_51 {dimension_numbers = #tpu.dot_dimension_numbers<[1], [0], [0], [1], [0, 0, 1, 1], [], []>, transpose_lhs_hint = false} : vector<3200x384xbf16>, vector<384x256xbf16>, vector<3200x256xf32> -> vector<3200x256xf32>
    %reshape3A_53 = vector.shape_cast %dot_general3A_52 : vector<3200x256xf32> to vector<200x16x256xf32>
    %broadcast_in_dim3A = vector.shape_cast %add3A_29 : vector<200x256xf32> to vector<200x1x256xf32>
    %add3A_54 = vector.broadcast %broadcast_in_dim3A : vector<200x1x256xf32> to vector<200x16x256xf32>
    %add3A_55 = arith.addf %reshape3A_53, %add3A_54 : vector<200x16x256xf32>
    %slice3A = vector.extract_strided_slice %add3A_55 {offsets = [0, 0, 0], sizes = [200, 16, 128], strides = [1, 1, 1]} : vector<200x16x256xf32> to vector<200x16x128xf32>
    %slice3A_56 = vector.extract_strided_slice %add3A_55 {offsets = [0, 0, 128], sizes = [200, 16, 128], strides = [1, 1, 1]} : vector<200x16x256xf32> to vector<200x16x128xf32>
    %mul3A = arith.constant 5.000000e-01 : f32
    %mul3A_57 = vector.broadcast %mul3A : f32 to vector<200x16x128xf32>
    %mul3A_58 = arith.mulf %mul3A_57, %slice3A : vector<200x16x128xf32>
    %tanh3A = math.tanh %mul3A_58 : vector<200x16x128xf32>
    %mul3A_59 = arith.constant 5.000000e-01 : f32
    %mul3A_60 = vector.broadcast %mul3A_59 : f32 to vector<200x16x128xf32>
    %mul3A_61 = arith.mulf %mul3A_60, %tanh3A : vector<200x16x128xf32>
    %add3A_62 = arith.constant 5.000000e-01 : f32
    %add3A_63 = vector.broadcast %add3A_62 : f32 to vector<200x16x128xf32>
    %add3A_64 = arith.addf %mul3A_61, %add3A_63 : vector<200x16x128xf32>
    %max3A = arith.constant 0.000000e+00 : f32
    %max3A_65 = vector.broadcast %max3A : f32 to vector<200x16x128xf32>
    %max3A_66 = arith.maximumf %slice3A_56, %max3A_65 : vector<200x16x128xf32>
    %abs3A = math.absf %slice3A_56 : vector<200x16x128xf32>
    %neg3A = arith.constant 0.000000e+00 : f32
    %neg3A_67 = vector.broadcast %neg3A : f32 to vector<200x16x128xf32>
    %neg3A_68 = arith.subf %neg3A_67, %abs3A : vector<200x16x128xf32>
    %exp3A = math.exp %neg3A_68 : vector<200x16x128xf32>
    %log1p3A = math.log1p %exp3A : vector<200x16x128xf32>
    %add3A_69 = arith.addf %max3A_66, %log1p3A : vector<200x16x128xf32>
    %mul3A_70 = arith.mulf %add3A_64, %add3A_69 : vector<200x16x128xf32>
    %add3A_71 = arith.addf %get3A_45, %mul3A_70 : vector<200x16x128xf32>
    %max3A_72 = arith.constant 0.000000e+00 : f32
    %max3A_73 = vector.broadcast %max3A_72 : f32 to vector<200x16x128xf32>
    %max3A_74 = arith.maximumf %add3A_71, %max3A_73 : vector<200x16x128xf32>
    %abs3A_75 = math.absf %add3A_71 : vector<200x16x128xf32>
    %neg3A_76 = arith.constant 0.000000e+00 : f32
    %neg3A_77 = vector.broadcast %neg3A_76 : f32 to vector<200x16x128xf32>
    %neg3A_78 = arith.subf %neg3A_77, %abs3A_75 : vector<200x16x128xf32>
    %exp3A_79 = math.exp %neg3A_78 : vector<200x16x128xf32>
    %log1p3A_80 = math.log1p %exp3A_79 : vector<200x16x128xf32>
    %add3A_81 = arith.addf %max3A_74, %log1p3A_80 : vector<200x16x128xf32>
    %swap3A = arith.constant 0 : index
    %swap3A_82 = arith.constant 0 : index
    %swap3A_83 = arith.constant 0 : index
    %swap3A_84 = vector.load %arg13[%swap3A, %swap3A_82, %swap3A_83] : memref<200x16x128xf32, #tpu.memory_space<vmem>>, vector<200x16x128xf32>
    tpu.vector_store %arg13[%swap3A, %swap3A_82, %swap3A_83], %add3A_81 {strides = array<i32>} : memref<200x16x128xf32, #tpu.memory_space<vmem>>, vector<200x16x128xf32>,
    %reduce_sum3A = arith.constant dense<0.000000e+00> : vector<200x128xf32>
    %reduce_sum3A_85 = vector.multi_reduction <add>, %add3A_81, %reduce_sum3A [1] : vector<200x16x128xf32> to vector<200x128xf32>
    %div3A = arith.constant 1.600000e+01 : f32
    %div3A_86 = vector.broadcast %div3A : f32 to vector<200x128xf32>
    %div3A_87 = arith.divf %reduce_sum3A_85, %div3A_86 : vector<200x128xf32>
    %get3A_88 = arith.constant 0 : index
    %get3A_89 = arith.constant 0 : index
    %get3A_90 = arith.constant 0 : index
    %get3A_91 = vector.load %arg5[%get3A_88, %get3A_89, %get3A_90] : memref<1x1x200xi32, #tpu.memory_space<vmem>>, vector<1x1x200xi32>
    %reshape3A_92 = vector.shape_cast %get3A_91 : vector<1x1x200xi32> to vector<1x200xi32>
    %iota3A_93 = tpu.iota {dimensions = array<i32: 0>} : vector<128x200xi32>
    %eq3A_94 = vector.broadcast %reshape3A_92 : vector<1x200xi32> to vector<128x200xi32>
    %eq3A_95 = arith.cmpi eq, %iota3A_93, %eq3A_94 : vector<128x200xi32>
    %convert_element_type3A_96 = arith.extui %eq3A_95 : vector<128x200xi1> to vector<128x200xi32>
    %convert_element_type3A_97 = arith.sitofp %convert_element_type3A_96 : vector<128x200xi32> to vector<128x200xf32>
    %get3A_98 = arith.constant 0 : index
    %get3A_99 = arith.constant 0 : index
    %get3A_100 = vector.load %arg15[%get3A_98, %get3A_99] : memref<128x256xf32, #tpu.memory_space<vmem>>, vector<128x256xf32>
    %dot_general3A_101 = arith.constant dense<0.000000e+00> : vector<128x256xf32>
    %dot_general3A_102 = tpu.matmul %convert_element_type3A_97, %get3A_3, %dot_general3A_101 {dimension_numbers = #tpu.dot_dimension_numbers<[1], [0], [0], [1], [0, 0, 1, 1], [], []>, transpose_lhs_hint = false} : vector<128x200xf32>, vector<200x256xf32>, vector<128x256xf32> -> vector<128x256xf32>
    %add3A_103 = arith.addf %get3A_100, %dot_general3A_102 : vector<128x256xf32>
    %swap3A_104 = arith.constant 0 : index
    %swap3A_105 = arith.constant 0 : index
    %swap3A_106 = vector.load %arg15[%swap3A_104, %swap3A_105] : memref<128x256xf32, #tpu.memory_space<vmem>>, vector<128x256xf32>
    tpu.vector_store %arg15[%swap3A_104, %swap3A_105], %add3A_103 {strides = array<i32>} : memref<128x256xf32, #tpu.memory_space<vmem>>, vector<128x256xf32>,
    %get3A_107 = arith.constant 0 : index
    %get3A_108 = arith.constant 0 : index
    %get3A_109 = vector.load %arg16[%get3A_107, %get3A_108] : memref<128x128xf32, #tpu.memory_space<vmem>>, vector<128x128xf32>
    %dot_general3A_110 = arith.constant dense<0.000000e+00> : vector<128x128xf32>
    %dot_general3A_111 = tpu.matmul %convert_element_type3A_97, %div3A_87, %dot_general3A_110 {dimension_numbers = #tpu.dot_dimension_numbers<[1], [0], [0], [1], [0, 0, 1, 1], [], []>, transpose_lhs_hint = false} : vector<128x200xf32>, vector<200x128xf32>, vector<128x128xf32> -> vector<128x128xf32>
    %add3A_112 = arith.addf %get3A_109, %dot_general3A_111 : vector<128x128xf32>
    %swap3A_113 = arith.constant 0 : index
    %swap3A_114 = arith.constant 0 : index
    %swap3A_115 = vector.load %arg16[%swap3A_113, %swap3A_114] : memref<128x128xf32, #tpu.memory_space<vmem>>, vector<128x128xf32>
    tpu.vector_store %arg16[%swap3A_113, %swap3A_114], %add3A_112 {strides = array<i32>} : memref<128x128xf32, #tpu.memory_space<vmem>>, vector<128x128xf32>,
    %get3A_116 = arith.constant 0 : index
    %get3A_117 = arith.constant 0 : index
    %get3A_118 = vector.load %arg17[%get3A_116, %get3A_117] : memref<128x128xf32, #tpu.memory_space<vmem>>, vector<128x128xf32>
    %reduce_sum3A_119 = arith.constant dense<0.000000e+00> : vector<128xf32>
    %reduce_sum3A_120 = vector.multi_reduction <add>, %convert_element_type3A_97, %reduce_sum3A_119 [1] : vector<128x200xf32> to vector<128xf32>
    %broadcast_in_dim3A_121 = vector.shape_cast %reduce_sum3A_120 : vector<128xf32> to vector<128x1xf32>
    %add3A_122 = vector.broadcast %broadcast_in_dim3A_121 : vector<128x1xf32> to vector<128x128xf32>
    %add3A_123 = arith.addf %get3A_118, %add3A_122 : vector<128x128xf32>
    %swap3A_124 = arith.constant 0 : index
    %swap3A_125 = arith.constant 0 : index
    %swap3A_126 = vector.load %arg17[%swap3A_124, %swap3A_125] : memref<128x128xf32, #tpu.memory_space<vmem>>, vector<128x128xf32>
    tpu.vector_store %arg17[%swap3A_124, %swap3A_125], %add3A_123 {strides = array<i32>} : memref<128x128xf32, #tpu.memory_space<vmem>>, vector<128x128xf32>,
    %eq3A_127 = arith.constant 49 : i32
    %eq3A_128 = arith.cmpi eq, %arg0, %eq3A_127 : i32
    %convert_element_type3A_129 = arith.extui %eq3A_128 : i1 to i32
    %cond3A_130 = arith.constant 0 : i32
    %cond3A_131 = arith.cmpi ne, %convert_element_type3A_129, %cond3A_130 : i32
    scf.if %cond3A_131 {
      %get3A_132 = arith.constant 0 : index
      %get3A_133 = arith.constant 0 : index
      %get3A_134 = vector.load %arg17[%get3A_132, %get3A_133] : memref<128x128xf32, #tpu.memory_space<vmem>>, vector<128x128xf32>
      %max3A_135 = arith.constant 1.000000e+00 : f32
      %max3A_136 = vector.broadcast %max3A_135 : f32 to vector<128x128xf32>
      %max3A_137 = arith.maximumf %get3A_134, %max3A_136 : vector<128x128xf32>
      %concatenate3A_138 = tpu.concatenate %max3A_137, %max3A_137 in 1 : vector<128x128xf32>, vector<128x128xf32> -> vector<128x256xf32>
      %get3A_139 = arith.constant 0 : index
      %get3A_140 = arith.constant 0 : index
      %get3A_141 = vector.load %arg15[%get3A_139, %get3A_140] : memref<128x256xf32, #tpu.memory_space<vmem>>, vector<128x256xf32>
      %div3A_142 = arith.divf %get3A_141, %concatenate3A_138 : vector<128x256xf32>
      %get3A_143 = arith.constant 0 : index
      %get3A_144 = arith.constant 0 : index
      %get3A_145 = vector.load %arg16[%get3A_143, %get3A_144] : memref<128x128xf32, #tpu.memory_space<vmem>>, vector<128x128xf32>
      %div3A_146 = arith.divf %get3A_145, %max3A_137 : vector<128x128xf32>
      %concatenate3A_147 = tpu.concatenate %div3A_142, %div3A_146, %get3A_6 in 1 : vector<128x256xf32>, vector<128x128xf32>, vector<128x128xf32> -> vector<128x512xf32>
      %get3A_148 = arith.constant 0 : index
      %get3A_149 = arith.constant 0 : index
      %get3A_150 = vector.load %arg11[%get3A_148, %get3A_149] : memref<512x128xf32, #tpu.memory_space<vmem>>, vector<512x128xf32>
      %dot_general3A_151 = arith.constant dense<0.000000e+00> : vector<128x128xf32>
      %dot_general3A_152 = tpu.matmul %concatenate3A_147, %get3A_150, %dot_general3A_151 {dimension_numbers = #tpu.dot_dimension_numbers<[1], [0], [0], [1], [0, 0, 1, 1], [], []>, transpose_lhs_hint = false} : vector<128x512xf32>, vector<512x128xf32>, vector<128x128xf32> -> vector<128x128xf32>
      %add3A_153 = arith.addf %get3A_6, %dot_general3A_152 : vector<128x128xf32>
      %get3A_154 = arith.constant 0 : index
      %get3A_155 = arith.constant 0 : index
      %get3A_156 = vector.load %arg12[%get3A_154, %get3A_155] : memref<1x128xf32, #tpu.memory_space<vmem>>, vector<1x128xf32>
      %add3A_157 = vector.broadcast %get3A_156 : vector<1x128xf32> to vector<128x128xf32>
      %add3A_158 = arith.addf %add3A_153, %add3A_157 : vector<128x128xf32>
      %max3A_159 = arith.constant 0.000000e+00 : f32
      %max3A_160 = vector.broadcast %max3A_159 : f32 to vector<128x128xf32>
      %max3A_161 = arith.maximumf %add3A_158, %max3A_160 : vector<128x128xf32>
      %abs3A_162 = math.absf %add3A_158 : vector<128x128xf32>
      %neg3A_163 = arith.constant 0.000000e+00 : f32
      %neg3A_164 = vector.broadcast %neg3A_163 : f32 to vector<128x128xf32>
      %neg3A_165 = arith.subf %neg3A_164, %abs3A_162 : vector<128x128xf32>
      %exp3A_166 = math.exp %neg3A_165 : vector<128x128xf32>
      %log1p3A_167 = math.log1p %exp3A_166 : vector<128x128xf32>
      %add3A_168 = arith.addf %max3A_161, %log1p3A_167 : vector<128x128xf32>
      %swap3A_169 = arith.constant 0 : index
      %swap3A_170 = arith.constant 0 : index
      %swap3A_171 = vector.load %arg14[%swap3A_169, %swap3A_170] : memref<128x128xf32, #tpu.memory_space<vmem>>, vector<128x128xf32>
      tpu.vector_store %arg14[%swap3A_169, %swap3A_170], %add3A_168 {strides = array<i32>} : memref<128x128xf32, #tpu.memory_space<vmem>>, vector<128x128xf32>,
    } else {
    }
    return
  }
  func.func @transform_0(%arg0: i32) -> (i32, i32, i32) {
    %c0_i32 = arith.constant 0 : i32
    %c0_i32_0 = arith.constant 0 : i32
    %c0_i32_1 = arith.constant 0 : i32
    return %arg0, %c0_i32, %c0_i32_0 : i32, i32, i32
  }
  func.func @transform_1(%arg0: i32) -> (i32, i32, i32) {
    %c0_i32 = arith.constant 0 : i32
    %c0_i32_0 = arith.constant 0 : i32
    %c0_i32_1 = arith.constant 0 : i32
    return %arg0, %c0_i32, %c0_i32_0 : i32, i32, i32
  }
  func.func @transform_2(%arg0: i32) -> (i32, i32) {
    %c0_i32 = arith.constant 0 : i32
    %c0_i32_0 = arith.constant 0 : i32
    return %arg0, %c0_i32 : i32, i32
  }
  func.func @transform_3(%arg0: i32) -> (i32, i32) {
    %c0_i32 = arith.constant 0 : i32
    %c0_i32_0 = arith.constant 0 : i32
    return %arg0, %c0_i32 : i32, i32
  }
  func.func @transform_4(%arg0: i32) -> (i32, i32, i32) {
    %c0_i32 = arith.constant 0 : i32
    %c0_i32_0 = arith.constant 0 : i32
    %c0_i32_1 = arith.constant 0 : i32
    return %arg0, %c0_i32, %c0_i32_0 : i32, i32, i32
  }
  func.func @transform_5(%arg0: i32) -> (i32, i32) {
    %c0_i32 = arith.constant 0 : i32
    %c0_i32_0 = arith.constant 0 : i32
    %c0_i32_1 = arith.constant 0 : i32
    return %c0_i32, %c0_i32_0 : i32, i32
  }
  func.func @transform_6(%arg0: i32) -> (i32, i32) {
    %c0_i32 = arith.constant 0 : i32
    %c0_i32_0 = arith.constant 0 : i32
    %c0_i32_1 = arith.constant 0 : i32
    return %c0_i32, %c0_i32_0 : i32, i32
  }
  func.func @transform_7(%arg0: i32) -> (i32, i32) {
    %c0_i32 = arith.constant 0 : i32
    %c0_i32_0 = arith.constant 0 : i32
    %c0_i32_1 = arith.constant 0 : i32
    return %c0_i32, %c0_i32_0 : i32, i32
  }
  func.func @transform_8(%arg0: i32) -> (i32, i32) {
    %c0_i32 = arith.constant 0 : i32
    %c0_i32_0 = arith.constant 0 : i32
    %c0_i32_1 = arith.constant 0 : i32
    return %c0_i32, %c0_i32_0 : i32, i32
  }
  func.func @transform_9(%arg0: i32) -> (i32, i32) {
    %c0_i32 = arith.constant 0 : i32
    %c0_i32_0 = arith.constant 0 : i32
    %c0_i32_1 = arith.constant 0 : i32
    return %c0_i32, %c0_i32_0 : i32, i32
  }
  func.func @transform_10(%arg0: i32) -> (i32, i32) {
    %c0_i32 = arith.constant 0 : i32
    %c0_i32_0 = arith.constant 0 : i32
    %c0_i32_1 = arith.constant 0 : i32
    return %c0_i32, %c0_i32_0 : i32, i32
  }
  func.func @transform_11(%arg0: i32) -> (i32, i32) {
    %c0_i32 = arith.constant 0 : i32
    %c0_i32_0 = arith.constant 0 : i32
    %c0_i32_1 = arith.constant 0 : i32
    return %c0_i32, %c0_i32_0 : i32, i32
  }
  func.func @transform_12(%arg0: i32) -> (i32, i32, i32) {
    %c0_i32 = arith.constant 0 : i32
    %c0_i32_0 = arith.constant 0 : i32
    %c0_i32_1 = arith.constant 0 : i32
    return %arg0, %c0_i32, %c0_i32_0 : i32, i32, i32
  }
  func.func @transform_13(%arg0: i32) -> (i32, i32) {
    %c0_i32 = arith.constant 0 : i32
    %c0_i32_0 = arith.constant 0 : i32
    %c0_i32_1 = arith.constant 0 : i32
    return %c0_i32, %c0_i32_0 : i32, i32
  }
}

</mosaic_0001>

<sc_bundles>
// kernel: kernel.10.cloned.1.call-start
scs
__scs_entry_jumppad:
0x0: {  	(pc) =	sbr.rel $0x88, $3  }
0x1: {  	(tag) =	ssettag $0x0;
	lr =	simm.s32 $0x1  }
0x2: {  	[smem:$0x3F96] =	sst lr;
	_ =	strace $0xD0000000  }
0x3: {  	_ = 	snop  }
0x4: {  	_ = 	snop  }
0x5: {  	_ = 	snop  }
0x6: {  	_ = 	snop  }
0x7: {  	_ = 	snop  }
__scs_overlays_trampoline_lowered:
0x8: {  	[smem:$0x3FA5] =	sst s0  }
0x9: {  	[smem:$0x3FA6] =	sst s1  }
0xa: {  	[smem:$0x3FA7] =	sst s2  }
0xb: {  	[smem:$0x3FA8] =	sst s3  }
0xc: {  	[smem:$0x3FA9] =	sst s4  }
0xd: {  	[smem:$0x3FAA] =	sst s5  }
0xe: {  	[smem:$0x3FAB] =	sst s6  }
0xf: {  	[smem:$0x3FAC] =	sst s7  }
0x10: {  	[smem:$0x3FAD] =	sst s8  }
0x11: {  	[smem:$0x3FAE] =	sst s9;
	s0 =	simm.s32 @!p0 $0x0  }
0x12: {  	s1 =	sld [smem:$0x3F94];
	s0 =	simm.s32 @p0 $0x1  }
0x13: {  	[smem:$0x3FAF] =	sst s0;
	s0 =	simm.s32 @!p1 $0x0  }
0x14: {  	s2 =	sld [smem:$0x3F93];
	s0 =	simm.s32 @p1 $0x1  }
0x15: {  	[smem:$0x3FB0] =	sst s0;
	s0 =	simm.s32 @!p2 $0x0  }
0x16: {  	s3 =	sld [smem:$0x3FDB];
	s0 =	simm.s32 @p2 $0x1  }
0x17: {  	s4 =	simm.s32 $0x1BF5;
	[smem:$0x3FB2] =	sst s0  }
0x18: {  	s0 =	sld [smem:$0x3F95];
	_ =	swait.ge [sflag:s4], $0x0  }
0x19: {  	s7 =	sld [smem:$0x3F96]  }
0x1a: {  	s8 =	sadd.s32 $0xFFFFE003, lr  }
0x1b: {  	s9 =	sadd.s32 $0xFFFFFEF7, lr;
	s5 =	simm.s32 $0xFFFFFFFF;
	p2 =	slt.u32 s8, $0xFFFFF086  }
0x1c: {  	p1 =	slt.u32 s9, $0xF7A;
	s5 =	simm.s32 @!p2 $0x0  }
0x1d: {  	s5 =	simm.s32 @p1 $0x1;
	p0 =	seq.s32 s7, s2  }
0x1e: {  	s7 =	smul.u32 @!p0 $0xF7A, s2;
	p2 =	seq.s32 @!p0 s5, $0x0  }
0x1f: {  	s9 =	smul.u32 $0xF7A, s1;
	s8 =	simm.s32 @!p0 $0x1BF5;
	p2 =	por !p2, p0  }
0x20: {  	[sflag:s8] =	ssyncset.s32 @!p0 $0xFFFFF086;
	s6 =	sadd.s32 @!p0 s3, s7;
	s7 =	simm.s32 @!p0 $0x108  }
0x21: {  	s3 =	sadd.s32 s3, s9;
	s6 =	sadd.s32 @!p0 $0x88, s6;
	s7 =	simm.s32 @p2 $0x1082  }
0x22: {  	[simem:s7], [sflag:s8] =	dma.local @!p0 [hbm:s6], $0xF7A  }
0x23: {  	s9 =	sor.u32 $0xD0000000, s2;
	s6 =	simm.s32 $0x108;
	_ =	swait.ge @!p0 [sflag:s8], $0x0  }
0x24: {  	s3 =	sadd.s32 $0x88, s3;
	s6 =	simm.s32 @!p1 $0x1082;
	[sflag:s4] =	ssyncset.s32 $0xFFFFF086  }
0x25: {  	[simem:s6], [sflag:s4] =	dma.local [hbm:s3], $0xF7A  }
0x26: {  	[smem:$0x3F96] =	sst s1;
	(tag) =	ssettag s2;
	_ =	strace s9  }
0x27: {  	s1 =	sld [smem:$0x3FA6]  }
0x28: {  	s2 =	sld [smem:$0x3FA7]  }
0x29: {  	s4 =	sld [smem:$0x3FA9]  }
0x2a: {  	p0 =	seq.s32 s5, $0x0;
	s5 =	sld [smem:$0x3FAA]  }
0x2b: {  	s6 =	sld [smem:$0x3FAB]  }
0x2c: {  	s7 =	sld [smem:$0x3FAC]  }
0x2d: {  	s3 =	simm.s32 $0x108;
	s8 =	sld [smem:$0x3FAD]  }
0x2e: {  	s3 =	simm.s32 @!p0 $0x1082;
	s9 =	sld [smem:$0x3FAE]  }
0x2f: {  	lr =	sadd.s32 s0, s3;
	s0 =	sld [smem:$0x3FA5]  }
0x30: {  	s3 =	sld [smem:$0x3FA8]  }
0x31: {  	[smem:$0x3FB1] =	sst s10  }
0x32: {  	s10 =	sld [smem:$0x3FAF];
	_ =	sdelay $0x3  }
0x33: {  	p0 =	seq.s32 s10, $0x1;
	s10 =	sld [smem:$0x3FB1];
	_ =	sdelay $0x3  }
0x34: {  	[smem:$0x3FB1] =	sst s10  }
0x35: {  	s10 =	sld [smem:$0x3FB0];
	_ =	sdelay $0x3  }
0x36: {  	p1 =	seq.s32 s10, $0x1;
	s10 =	sld [smem:$0x3FB1];
	_ =	sdelay $0x3  }
0x37: {  	[smem:$0x3FB1] =	sst s10  }
0x38: {  	s10 =	sld [smem:$0x3FB2]  }
0x39: {  	_ = 	snop;
	(pc) =	sbr.ind lr, $3  }
0x3a: {  	_ = 	snop  }
0x3b: {  	_ = 	snop  }
0x3c: {  	p2 =	seq.s32 s10, $0x1;
	s10 =	sld [smem:$0x3FB1]  }
0x3d: {  	_ =	shalt  }
0x3e: {  	_ =	shalt  }
0x3f: {  	_ =	shalt  }
0x40: {  	_ =	shalt  }
0x41: {  	_ =	shalt  }
0x42: {  	_ =	shalt  }
0x43: {  	_ =	shalt  }
0x44: {  	_ =	shalt  }
0x45: {  	_ =	shalt  }
0x46: {  	_ =	shalt  }
0x47: {  	_ =	shalt  }
0x48: {  	_ =	shalt  }
0x49: {  	_ =	shalt  }
0x4a: {  	_ =	shalt  }
0x4b: {  	_ =	shalt  }
0x4c: {  	_ =	shalt  }
0x4d: {  	_ =	shalt  }
0x4e: {  	_ =	shalt  }
0x4f: {  	_ =	shalt  }
0x50: {  	_ =	shalt  }
0x51: {  	_ =	shalt  }
0x52: {  	_ =	shalt  }
0x53: {  	_ =	shalt  }
0x54: {  	_ =	shalt  }
0x55: {  	_ =	shalt  }
0x56: {  	_ =	shalt  }
0x57: {  	_ =	shalt  }
0x58: {  	_ =	shalt  }
0x59: {  	_ =	shalt  }
0x5a: {  	_ =	shalt  }
0x5b: {  	_ =	shalt  }
0x5c: {  	_ =	shalt  }
0x5d: {  	_ =	shalt  }
0x5e: {  	_ =	shalt  }
0x5f: {  	_ =	shalt  }
0x60: {  	_ =	shalt  }
0x61: {  	_ =	shalt  }
0x62: {  	_ =	shalt  }
0x63: {  	_ =	shalt  }
0x64: {  	_ =	shalt  }
0x65: {  	_ =	shalt  }
0x66: {  	_ =	shalt  }
0x67: {  	_ =	shalt  }
0x68: {  	_ =	shalt  }
0x69: {  	_ =	shalt  }
0x6a: {  	_ =	shalt  }
0x6b: {  	_ =	shalt  }
0x6c: {  	_ =	shalt  }
0x6d: {  	_ =	shalt  }
0x6e: {  	_ =	shalt  }
0x6f: {  	_ =	shalt  }
0x70: {  	_ =	shalt  }
0x71: {  	_ =	shalt  }
0x72: {  	_ =	shalt  }
0x73: {  	_ =	shalt  }
0x74: {  	_ =	shalt  }
0x75: {  	_ =	shalt  }
0x76: {  	_ =	shalt  }
0x77: {  	_ =	shalt  }
0x78: {  	_ =	shalt  }
0x79: {  	_ =	shalt  }
0x7a: {  	_ =	shalt  }
0x7b: {  	_ =	shalt  }
0x7c: {  	_ =	shalt  }
0x7d: {  	_ =	shalt  }
0x7e: {  	_ =	shalt  }
0x7f: {  	_ =	shalt  }
0x80: {  	_ =	shalt  }
0x81: {  	_ =	shalt  }
0x82: {  	_ =	shalt  }
0x83: {  	_ =	shalt  }
0x84: {  	_ =	shalt  }
0x85: {  	_ =	shalt  }
0x86: {  	_ =	shalt  }
0x87: {  	_ =	shalt  }
.Lfunc_end0:
.L_simem_size_0:
called_computation.1_lowered:
.L_overlay_start_0:
0x88: {  	s2 =	sld [smem:$0x3FD9]  }
0x89: {  	s3 =	sld [smem:$0x3FFE];
	_ =	sdelay $0x1  }
0x8a: {  	s1 =	srdreg.scid  }
0x8b: {  	s0 =	sand.u32 $0x1, s1  }
0x8c: {  	s14 =	sshll.u32 s0, $0xA;
	s2 =	sadd.s32 s3, s2  }
0x8d: {  	s2 =	sadd.s32 s2, s14  }
0x8e: {  	[smem:$0x3FBD] =	sst s2  }
0x8f: {  	_ = 	snop  }
0x90: {  	s2 =	sld [smem:$0x3FD0];
	_ =	sdelay $0x2  }
0x91: {  	s15 =	simm.s32 $0xA;
	s4 =	simm.s32 $0x10  }
0x92: {  	[smem:s4], [sflag:s15] =	dma.local [hbm:s2], $0x1  }
0x93: {  	_ =	swait.eq [sflag:s15], $0x1  }
0x94: {  	[sflag:s15] =	ssyncset.done $0x0  }
0x95: {  	[sflag:s15] =	ssyncadd.s32 $0xFFFFFFFF  }
0x96: {  	s16 =	sld [smem:$0x11];
	(tm) =	ssettm $0x1  }
0x97: {  	s17 =	sld [smem:$0x3FFB];
	_ =	sdelay $0x3  }
0x98: {  	_ =	strace s17  }
0x99: {  	s3 =	sld [smem:$0x3FFC];
	_ =	sdelay $0x3  }
0x9a: {  	_ =	strace s3  }
0x9b: {  	s3 =	sld [smem:$0x3FFD];
	_ =	sdelay $0x3  }
0x9c: {  	_ =	strace s3  }
0x9d: {  	_ =	strace $0x8FFFFFFF  }
0x9e: {  	s18 =	sld [smem:$0x3FDB];
	_ =	sdelay $0x1  }
0x9f: {  	s19 =	simm.s32 $_scs_section_size  }
0xa0: {  	s5 =	simm.s32 $_size__tile_overlayer_lowered;
	s6 =	simm.s32 $_tile_overlayer_lowered  }
0xa1: {  	s22 =	simm.s32 $0x1BFF;
	s21 =	sshll.u32 s6, $0x1;
	s3 =	sadd.s32 s19, s18  }
0xa2: {  	s7 =	simm.s32 $0x0;
	s20 =	sshll.u32 s5, $0x1;
	s5 =	sadd.s32 s21, s3  }
0xa3: {  	[timem:s7], [sflag:s22] =	dma.local [hbm:s5], s20  }
0xa4: {  	_ =	swait.ge [sflag:s22], s20  }
0xa5: {  	s4 =	ssub.s32 $0x0, s20;
	[sflag:s22] =	ssyncset.done $0x0  }
0xa6: {  	[sflag:s22] =	ssyncadd.s32 s4;
	_ =	sdelay $0x1  }
0xa7: {  	s23 =	simm.s32 $0x1B8B  }
0xa8: {  	_ =	swait.ge [sflag:s23], $0x1  }
0xa9: {  	[sflag:s23] =	ssyncset.done $0x0  }
0xaa: {  	s25 =	simm.s32 $0x1B8E;
	s24 =	sld [smem:$0x3FFE];
	[sflag:s23] =	ssyncadd.s32 $0xFFFFFFFF  }
0xab: {  	s26 =	simm.s32 $execute0_lowered;
	[smem:$0x3FD2] =	sst s25  }
0xac: {  	s5 =	sshll.u32 s26, $0x1;
	_ =	strace $0x80000049;
	[dreg:$0x1] =	wrdreg $0xFFFFFFFF  }
0xad: {  	s28 =	simm.s32 $_size_execute0_lowered;
	s3 =	sadd.s32 s3, s5;
	[dreg:$0x0] =	wrdreg $0x0  }
0xae: {  	s5 =	sshll.u32 s28, $0x1;
	[dreg:$0x2] =	wrdreg s3  }
0xaf: {  	[dreg:$0x3] =	wrdreg s5  }
0xb0: {  	[dreg:$0x4] =	wrdreg $0xC0  }
0xb1: {  	_ =	task [dreg:s7], $0x5FFFF  }
0xb2: {  	[dreg:$0x1] =	wrdreg $0xFFFFFFFF  }
0xb3: {  	[dreg:$0x0] =	wrdreg $0x60  }
0xb4: {  	[dreg:$0x2] =	wrdreg s16  }
0xb5: {  	[dreg:$0x3] =	wrdreg s24  }
0xb6: {  	[dreg:$0x4] =	wrdreg $0x9  }
0xb7: {  	_ =	task.clear_ibuf [dreg:s7], $0x5FFFF;
	_ =	strace $0x90000049  }
0xb8: {  	s29 =	simm.s32 $0x9;
	_ =	strace $0x8000004B  }
0xb9: {  	_ =	swait.ge [sflag:s29], $0x1  }
0xba: {  	[sflag:s29] =	ssyncadd.s32 $0xFFFFFFFF  }
0xbb: {  	_ =	strace $0x9000004B  }
0xbc: {  	_ =	sfence  }
0xbd: {  	s30 =	sld [smem:$0x0];
	_ =	sdelay $0x2  }
0xbe: {  	s31 =	sshll.u32 s1, $0xD;
	s1 =	sshrl.u32 s1, $0x2  }
0xbf: {  	s3 =	sand.u32 $0x4000, s31;
	s1 =	sadd.s32 s1, s30  }
0xc0: {  	s0 =	sor.u32 s3, s0;
	s1 =	sshll.u32 s1, $0x11  }
0xc1: {  	s0 =	sor.u32 s1, s0  }
0xc2: {  	s0 =	sadd.s32 $0x8F2B, s0  }
0xc3: {  	[sflag:s0] =	ssyncadd.remote.s32 $0x1  }
0xc4: {  	_ =	sfence.sel $0xFFFF  }
0xc5: {  	[dreg:$0x0] =	wrdreg $0xFFFFFFFF;
	(pc) =	sbr.abs _section_cstart, $3  }
0xc6: {  	[dreg:$0x1] =	wrdreg $0xFFFFFFFF  }
0xc7: {  	_ =	task.clear_ibuf [dreg:s7], $0x2FFFF;
	_ =	strace $0x9FFFFFFF  }
0xc8: {  	(tm) =	ssettm $0x7FFFFFFF  }
0xc9: {  	_ =	shalt  }
tec
execute0_lowered:
.L_overlay_start_1:
0x0: {  	(tag) =	ssettag $0x1  }
0x1: {  	s1 =	srdreg.scid  }
0x2: {  	s0 =	stileid.u32;
	s2 =	rddreg [dreg:$0x0]  }
0x3: {  	s5 =	rddreg [dreg:$0x1];
	s3 =	simm.s32 $0x0;
	s10 =	simm.s32 $0x2800  }
0x4: {  	s11 =	simm.s32 $0x3C00;
	s12 =	simm.s32 $0x5000;
	s13 =	simm.s32 $0x6400  }
0x5: {  	s14 =	simm.s32 $0x1;
	s15 =	simm.s32 $0x0;
	s4 =	sand.u32 $0x1, s1  }
0x6: {  	s30 =	sshll.u32 s0, $0x1;
	s1 =	rddreg [dreg:$0x2];
	s7 =	smul.u32 $0x27100, s0  }
0x7: {  	s6 =	sor.u32 s4, s30;
	s8 =	ssub.s32 $0x2, s4;
	s4 =	smul.u32 $0x13880, s4  }
0x8: {  	[smem:$0x7FF] =	sst s3;
	s6 =	smul.u32 $0x1388, s6;
	s9 =	sshrl.u32 s8, $0x1  }
0x9: {  	_ =	strace $0x8000004A;
	s7 =	sadd.s32 s7, s5;
	s31 =	ssub.s32 s8, s9  }
0xa: {  	s7 =	sadd.s32 s4, s7;
	s8 =	simm.s32 $0x28;
	s6 =	sshrl.u32 s6, $0x3  }
0xb: {  	s9 =	simm.s32 $0x1400;
	s5 =	sadd.s32 s6, s5;
	s6 =	sadd.s32 $0x8000, s7  }
0xc: {  	s7 =	simm.s32 $0x2;
	s4 =	sadd.s32 $0x2600, s5;
	s5 =	smax.u32 s31, $0x1  }
.LBB2_1:
0xd: {  	[tilespmem:s3], [sflag:$0x2] =	stream.linear.gather [hbm4b:s4+s3], $0x1388, $0x38;
	[tilespmem:$0x7800] =	vst v63  }
0xe: {  	_ =	swait.ge [sflag:s7], $0x1388  }
0xf: {  	[sflag:s7] =	ssyncset.done $0x0  }
0x10: {  	s16 =	simm.s32 $0x0;
	[sflag:s7] =	ssyncadd.s32 $0xFFFFEC78  }
0x11: {  	[tilespmem:s9], [sflag:$0x1] =	stream.indirect.gather [hbm4b:s2+s8], $0x80, s16, s8, $0xb8;
	[tilespmem:$0x7800] =	vst v63  }
0x12: {  	s23 =	simm.s32 $0x28  }
0x13: {  	[tilespmem:s10], [sflag:$0x1] =	stream.indirect.gather [hbm4b:s2+s8], $0x80, s23, s8, $0xb8;
	[tilespmem:$0x7800] =	vst v63  }
0x14: {  	s24 =	simm.s32 $0x50  }
0x15: {  	[tilespmem:s11], [sflag:$0x1] =	stream.indirect.gather [hbm4b:s2+s8], $0x80, s24, s8, $0xb8;
	[tilespmem:$0x7800] =	vst v63  }
0x16: {  	s25 =	simm.s32 $0x78  }
0x17: {  	[tilespmem:s12], [sflag:$0x1] =	stream.indirect.gather [hbm4b:s2+s8], $0x80, s25, s8, $0xb8;
	[tilespmem:$0x7800] =	vst v63  }
0x18: {  	s26 =	simm.s32 $0xA0  }
0x19: {  	[tilespmem:s13], [sflag:$0x1] =	stream.indirect.gather [hbm4b:s2+s8], $0x80, s26, s8, $0xb8;
	[tilespmem:$0x7800] =	vst v63  }
0x1a: {  	_ =	swait.ge [sflag:s14], $0x1400  }
0x1b: {  	[sflag:s14] =	ssyncset.done $0x0  }
0x1c: {  	s28 =	sadd.s32 $0xFFFFF600, s6;
	[sflag:s14] =	ssyncadd.s32 $0xFFFFEC00  }
0x1d: {  	[hbm4b:s28+s3] =	stream.linear.scatter [tilespmem:s9], [sflag:$0x2], $0x1400, $0x38;
	[tilespmem:$0x7800] =	vst v63  }
0x1e: {  	_ =	swait.ge [sflag:s7], $0x1400  }
0x1f: {  	[sflag:s7] =	ssyncset.done $0x0  }
0x20: {  	[sflag:s7] =	ssyncadd.s32 $0xFFFFEC00  }
0x21: {  	_ =	swait.ge [sflag:s14], $0x1400  }
0x22: {  	[sflag:s14] =	ssyncset.done $0x0  }
0x23: {  	s29 =	sadd.s32 $0xFFFFF880, s6;
	[sflag:s14] =	ssyncadd.s32 $0xFFFFEC00  }
0x24: {  	[hbm4b:s29+s3] =	stream.linear.scatter [tilespmem:s10], [sflag:$0x2], $0x1400, $0x38;
	[tilespmem:$0x7800] =	vst v63  }
0x25: {  	_ =	swait.ge [sflag:s7], $0x1400  }
0x26: {  	[sflag:s7] =	ssyncset.done $0x0  }
0x27: {  	[sflag:s7] =	ssyncadd.s32 $0xFFFFEC00  }
0x28: {  	_ =	swait.ge [sflag:s14], $0x1400  }
0x29: {  	[sflag:s14] =	ssyncset.done $0x0  }
0x2a: {  	s30 =	sadd.s32 $0xFFFFFB00, s6;
	[sflag:s14] =	ssyncadd.s32 $0xFFFFEC00  }
0x2b: {  	[hbm4b:s30+s3] =	stream.linear.scatter [tilespmem:s11], [sflag:$0x2], $0x1400, $0x38;
	[tilespmem:$0x7800] =	vst v63  }
0x2c: {  	_ =	swait.ge [sflag:s7], $0x1400  }
0x2d: {  	[sflag:s7] =	ssyncset.done $0x0  }
0x2e: {  	[sflag:s7] =	ssyncadd.s32 $0xFFFFEC00  }
0x2f: {  	_ =	swait.ge [sflag:s14], $0x1400  }
0x30: {  	[sflag:s14] =	ssyncset.done $0x0  }
0x31: {  	s31 =	sadd.s32 $0xFFFFFD80, s6;
	[sflag:s14] =	ssyncadd.s32 $0xFFFFEC00  }
0x32: {  	[hbm4b:s31+s3] =	stream.linear.scatter [tilespmem:s12], [sflag:$0x2], $0x1400, $0x38;
	[tilespmem:$0x7800] =	vst v63  }
0x33: {  	_ =	swait.ge [sflag:s7], $0x1400  }
0x34: {  	[sflag:s7] =	ssyncset.done $0x0  }
0x35: {  	[sflag:s7] =	ssyncadd.s32 $0xFFFFEC00  }
0x36: {  	_ =	swait.ge [sflag:s14], $0x1400  }
0x37: {  	[sflag:s14] =	ssyncset.done $0x0  }
0x38: {  	[sflag:s14] =	ssyncadd.s32 $0xFFFFEC00  }
0x39: {  	[hbm4b:s6+s3] =	stream.linear.scatter [tilespmem:s13], [sflag:$0x2], $0x1400, $0x38;
	[tilespmem:$0x7800] =	vst v63  }
0x3a: {  	s17 =	simm.s32 $0x320;
	_ =	swait.ge [sflag:s7], $0x1400  }
0x3b: {  	s19 =	simm.s32 $0x640;
	s16 =	sadd.s32 $0xC80, s6;
	[sflag:s7] =	ssyncset.done $0x0  }
.LBB2_2:
0x3c: {  	s20 =	sshra.s32 s17, $0x2  }
0x3d: {  	[sflag:s7] =	ssyncadd.s32 $0xFFFFEC00;
	s17 =	smov.u32 s19;
	s18 =	sadd.s32 $0x320, s19  }
0x3e: {  	[tilespmem:s9], [sflag:$0x1] =	stream.indirect.gather [hbm4b:s2+s8], $0x80, s20, s8, $0xb8;
	[tilespmem:$0x7800] =	vst v63  }
0x3f: {  	p0 =	sne.s32 s19, $0x4B00;
	s19 =	sadd.s32 $0x28, s20  }
0x40: {  	[tilespmem:s10], [sflag:$0x1] =	stream.indirect.gather [hbm4b:s2+s8], $0x80, s19, s8, $0xb8;
	[tilespmem:$0x7800] =	vst v63  }
0x41: {  	s19 =	sadd.s32 $0x50, s20  }
0x42: {  	[tilespmem:s11], [sflag:$0x1] =	stream.indirect.gather [hbm4b:s2+s8], $0x80, s19, s8, $0xb8;
	[tilespmem:$0x7800] =	vst v63  }
0x43: {  	s19 =	sadd.s32 $0x78, s20  }
0x44: {  	[tilespmem:s12], [sflag:$0x1] =	stream.indirect.gather [hbm4b:s2+s8], $0x80, s19, s8, $0xb8;
	[tilespmem:$0x7800] =	vst v63  }
0x45: {  	s19 =	sadd.s32 $0xA0, s20  }
0x46: {  	[tilespmem:s13], [sflag:$0x1] =	stream.indirect.gather [hbm4b:s2+s8], $0x80, s19, s8, $0xb8;
	[tilespmem:$0x7800] =	vst v63  }
0x47: {  	_ =	swait.ge [sflag:s14], $0x1400  }
0x48: {  	[sflag:s14] =	ssyncset.done $0x0  }
0x49: {  	s19 =	sadd.s32 $0xFFFFF600, s16;
	[sflag:s14] =	ssyncadd.s32 $0xFFFFEC00  }
0x4a: {  	[hbm4b:s19+s3] =	stream.linear.scatter [tilespmem:s9], [sflag:$0x2], $0x1400, $0x38;
	[tilespmem:$0x7800] =	vst v63  }
0x4b: {  	_ =	swait.ge [sflag:s7], $0x1400  }
0x4c: {  	[sflag:s7] =	ssyncset.done $0x0  }
0x4d: {  	[sflag:s7] =	ssyncadd.s32 $0xFFFFEC00  }
0x4e: {  	_ =	swait.ge [sflag:s14], $0x1400  }
0x4f: {  	[sflag:s14] =	ssyncset.done $0x0  }
0x50: {  	s19 =	sadd.s32 $0xFFFFF880, s16;
	[sflag:s14] =	ssyncadd.s32 $0xFFFFEC00  }
0x51: {  	[hbm4b:s19+s3] =	stream.linear.scatter [tilespmem:s10], [sflag:$0x2], $0x1400, $0x38;
	[tilespmem:$0x7800] =	vst v63  }
0x52: {  	_ =	swait.ge [sflag:s7], $0x1400  }
0x53: {  	[sflag:s7] =	ssyncset.done $0x0  }
0x54: {  	[sflag:s7] =	ssyncadd.s32 $0xFFFFEC00  }
0x55: {  	_ =	swait.ge [sflag:s14], $0x1400  }
0x56: {  	[sflag:s14] =	ssyncset.done $0x0  }
0x57: {  	s19 =	sadd.s32 $0xFFFFFB00, s16;
	[sflag:s14] =	ssyncadd.s32 $0xFFFFEC00  }
0x58: {  	[hbm4b:s19+s3] =	stream.linear.scatter [tilespmem:s11], [sflag:$0x2], $0x1400, $0x38;
	[tilespmem:$0x7800] =	vst v63  }
0x59: {  	_ =	swait.ge [sflag:s7], $0x1400  }
0x5a: {  	[sflag:s7] =	ssyncset.done $0x0  }
0x5b: {  	[sflag:s7] =	ssyncadd.s32 $0xFFFFEC00  }
0x5c: {  	_ =	swait.ge [sflag:s14], $0x1400  }
0x5d: {  	[sflag:s14] =	ssyncset.done $0x0  }
0x5e: {  	s19 =	sadd.s32 $0xFFFFFD80, s16;
	[sflag:s14] =	ssyncadd.s32 $0xFFFFEC00  }
0x5f: {  	[hbm4b:s19+s3] =	stream.linear.scatter [tilespmem:s12], [sflag:$0x2], $0x1400, $0x38;
	[tilespmem:$0x7800] =	vst v63  }
0x60: {  	_ =	swait.ge [sflag:s7], $0x1400  }
0x61: {  	[sflag:s7] =	ssyncset.done $0x0  }
0x62: {  	[sflag:s7] =	ssyncadd.s32 $0xFFFFEC00  }
0x63: {  	_ =	swait.ge [sflag:s14], $0x1400  }
.Ltmp0:
0x64: {  	[sflag:s14] =	ssyncset.done $0x0;
	(pc) =	sbr.rel @p0 .LBB2_2-.Ltmp0, $4  }
0x65: {  	[sflag:s14] =	ssyncadd.s32 $0xFFFFEC00  }
0x66: {  	[hbm4b:s16+s3] =	stream.linear.scatter [tilespmem:s13], [sflag:$0x2], $0x1400, $0x38;
	[tilespmem:$0x7800] =	vst v63  }
0x67: {  	_ =	swait.ge [sflag:s7], $0x1400  }
0x68: {  	s19 =	smov.u32 s18;
	s16 =	sadd.s32 $0xC80, s16;
	[sflag:s7] =	ssyncset.done $0x0  }
0x69: {  	s17 =	sshra.s32 s17, $0x2;
	[sflag:s7] =	ssyncadd.s32 $0xFFFFEC00  }
0x6a: {  	[tilespmem:s9], [sflag:$0x1] =	stream.indirect.gather [hbm4b:s2+s8], $0x80, s17, s8, $0xb8;
	[tilespmem:$0x7800] =	vst v63  }
0x6b: {  	s18 =	sadd.s32 $0x28, s17  }
0x6c: {  	[tilespmem:s10], [sflag:$0x1] =	stream.indirect.gather [hbm4b:s2+s8], $0x80, s18, s8, $0xb8;
	[tilespmem:$0x7800] =	vst v63  }
0x6d: {  	s25 =	sadd.s32 $0x50, s17  }
0x6e: {  	[tilespmem:s11], [sflag:$0x1] =	stream.indirect.gather [hbm4b:s2+s8], $0x80, s25, s8, $0xb8;
	[tilespmem:$0x7800] =	vst v63  }
0x6f: {  	s26 =	sadd.s32 $0x78, s17  }
0x70: {  	[tilespmem:s12], [sflag:$0x1] =	stream.indirect.gather [hbm4b:s2+s8], $0x80, s26, s8, $0xb8;
	[tilespmem:$0x7800] =	vst v63  }
0x71: {  	s17 =	sadd.s32 $0xA0, s17  }
0x72: {  	[tilespmem:s13], [sflag:$0x1] =	stream.indirect.gather [hbm4b:s2+s8], $0x80, s17, s8, $0xb8;
	[tilespmem:$0x7800] =	vst v63  }
0x73: {  	_ =	swait.ge [sflag:s14], $0x1400  }
0x74: {  	[sflag:s14] =	ssyncset.done $0x0  }
0x75: {  	s28 =	sadd.s32 $0xFFFFF600, s16;
	[sflag:s14] =	ssyncadd.s32 $0xFFFFEC00  }
0x76: {  	[hbm4b:s28+s3] =	stream.linear.scatter [tilespmem:s9], [sflag:$0x2], $0x1400, $0x38;
	[tilespmem:$0x7800] =	vst v63  }
0x77: {  	_ =	swait.ge [sflag:s7], $0x1400  }
0x78: {  	[sflag:s7] =	ssyncset.done $0x0  }
0x79: {  	[sflag:s7] =	ssyncadd.s32 $0xFFFFEC00  }
0x7a: {  	_ =	swait.ge [sflag:s14], $0x1400  }
0x7b: {  	[sflag:s14] =	ssyncset.done $0x0  }
0x7c: {  	s29 =	sadd.s32 $0xFFFFF880, s16;
	[sflag:s14] =	ssyncadd.s32 $0xFFFFEC00  }
0x7d: {  	[hbm4b:s29+s3] =	stream.linear.scatter [tilespmem:s10], [sflag:$0x2], $0x1400, $0x38;
	[tilespmem:$0x7800] =	vst v63  }
0x7e: {  	_ =	swait.ge [sflag:s7], $0x1400  }
0x7f: {  	[sflag:s7] =	ssyncset.done $0x0  }
0x80: {  	[sflag:s7] =	ssyncadd.s32 $0xFFFFEC00  }
0x81: {  	_ =	swait.ge [sflag:s14], $0x1400  }
0x82: {  	[sflag:s14] =	ssyncset.done $0x0  }
0x83: {  	s30 =	sadd.s32 $0xFFFFFB00, s16;
	[sflag:s14] =	ssyncadd.s32 $0xFFFFEC00  }
0x84: {  	[hbm4b:s30+s3] =	stream.linear.scatter [tilespmem:s11], [sflag:$0x2], $0x1400, $0x38;
	[tilespmem:$0x7800] =	vst v63  }
0x85: {  	_ =	swait.ge [sflag:s7], $0x1400  }
0x86: {  	[sflag:s7] =	ssyncset.done $0x0  }
0x87: {  	[sflag:s7] =	ssyncadd.s32 $0xFFFFEC00  }
0x88: {  	_ =	swait.ge [sflag:s14], $0x1400  }
0x89: {  	[sflag:s14] =	ssyncset.done $0x0  }
0x8a: {  	s31 =	sadd.s32 $0xFFFFFD80, s16;
	[sflag:s14] =	ssyncadd.s32 $0xFFFFEC00  }
0x8b: {  	[hbm4b:s31+s3] =	stream.linear.scatter [tilespmem:s12], [sflag:$0x2], $0x1400, $0x38;
	[tilespmem:$0x7800] =	vst v63  }
0x8c: {  	_ =	swait.ge [sflag:s7], $0x1400  }
0x8d: {  	[sflag:s7] =	ssyncset.done $0x0  }
0x8e: {  	[sflag:s7] =	ssyncadd.s32 $0xFFFFEC00  }
0x8f: {  	s15 =	sadd.s32 $0x1, s15;
	_ =	swait.ge [sflag:s14], $0x1400  }
0x90: {  	p0 =	sne.s32 s15, s5;
	[sflag:s14] =	ssyncset.done $0x0  }
.Ltmp1:
0x91: {  	[sflag:s14] =	ssyncadd.s32 $0xFFFFEC00;
	(pc) =	sbr.rel @p0 .LBB2_1-.Ltmp1, $4  }
0x92: {  	[hbm4b:s16+s3] =	stream.linear.scatter [tilespmem:s13], [sflag:$0x2], $0x1400, $0x38;
	[tilespmem:$0x7800] =	vst v63  }
0x93: {  	_ =	swait.ge [sflag:s7], $0x1400  }
0x94: {  	[sflag:s7] =	ssyncset.done $0x0  }
0x95: {  	[sflag:s7] =	ssyncadd.s32 $0xFFFFEC00  }
0x96: {  	_ =	sfence.sel $0x180000  }
0x97: {  	[bflag:$0x0] =	sbarrier.arrive $0xFFFF  }
0x98: {  	p0 =	sne.s32 s0, $0x0;
	_ =	strace $0x9000004A  }
0x99: {  	s0 =	sadd.s32 @!p0 $0x100000, s1;
	[bflag:$0x2] =	sbarrier.arrive $0xFFFF  }
0x9a: {  	[sflag:s0] =	ssyncadd.tile.s32 @!p0 $0x1;
	_ =	shalt  }
.Lfunc_end2:
_tile_overlayer_lowered:
.L_overlay_start_2:
0x9b: {  	(tag) =	ssettag $0x2  }
0x9c: {  	s0 =	rddreg [dreg:$0x0];
	s2 =	stileid.u32  }
0x9d: {  	s1 =	rddreg [dreg:$0x1];
	p0 =	sne.s32 s2, $0x0  }
0x9e: {  	s3 =	rddreg [dreg:$0x2];
	[bflag:$0x3] =	sbarrier.arrive $0xFFFF;
	s2 =	simm.s32 @!p0 $0x1C02  }
0x9f: {  	[timem:s3], [sflag:s2] =	dma.local @!p0 [hbm:s0], s1  }
0xa0: {  	s0 =	simm.s32 @!p0 $0x2  }
0xa1: {  	_ =	swait.ge @!p0 [sflag:s0], s1  }
0xa2: {  	s1 =	ssub.s32 @!p0 $0x0, s1;
	[sflag:s0] =	ssyncset.done @!p0 $0x0  }
0xa3: {  	[sflag:s0] =	ssyncadd.s32 @!p0 s1  }
0xa4: {  	[bflag:$0x3] =	sbarrier.arrive $0xFFFF  }
0xa5: {  	_ =	shalt  }

// kernel: kernel.7.cloned.1.call-start
scs
__scs_entry_jumppad:
0x0: {  	(pc) =	sbr.rel $0x88, $3  }
0x1: {  	(tag) =	ssettag $0x0;
	lr =	simm.s32 $0x1  }
0x2: {  	[smem:$0x3F96] =	sst lr;
	_ =	strace $0xD0000000  }
0x3: {  	_ = 	snop  }
0x4: {  	_ = 	snop  }
0x5: {  	_ = 	snop  }
0x6: {  	_ = 	snop  }
0x7: {  	_ = 	snop  }
__scs_overlays_trampoline_lowered:
0x8: {  	[smem:$0x3FA5] =	sst s0  }
0x9: {  	[smem:$0x3FA6] =	sst s1  }
0xa: {  	[smem:$0x3FA7] =	sst s2  }
0xb: {  	[smem:$0x3FA8] =	sst s3  }
0xc: {  	[smem:$0x3FA9] =	sst s4  }
0xd: {  	[smem:$0x3FAA] =	sst s5  }
0xe: {  	[smem:$0x3FAB] =	sst s6  }
0xf: {  	[smem:$0x3FAC] =	sst s7  }
0x10: {  	[smem:$0x3FAD] =	sst s8  }
0x11: {  	[smem:$0x3FAE] =	sst s9;
	s0 =	simm.s32 @!p0 $0x0  }
0x12: {  	s1 =	sld [smem:$0x3F94];
	s0 =	simm.s32 @p0 $0x1  }
0x13: {  	[smem:$0x3FAF] =	sst s0;
	s0 =	simm.s32 @!p1 $0x0  }
0x14: {  	s2 =	sld [smem:$0x3F93];
	s0 =	simm.s32 @p1 $0x1  }
0x15: {  	[smem:$0x3FB0] =	sst s0;
	s0 =	simm.s32 @!p2 $0x0  }
0x16: {  	s3 =	sld [smem:$0x3FDB];
	s0 =	simm.s32 @p2 $0x1  }
0x17: {  	s4 =	simm.s32 $0x1BF5;
	[smem:$0x3FB2] =	sst s0  }
0x18: {  	s0 =	sld [smem:$0x3F95];
	_ =	swait.ge [sflag:s4], $0x0  }
0x19: {  	s7 =	sld [smem:$0x3F96]  }
0x1a: {  	s8 =	sadd.s32 $0xFFFFE003, lr  }
0x1b: {  	s9 =	sadd.s32 $0xFFFFFEF7, lr;
	s5 =	simm.s32 $0xFFFFFFFF;
	p2 =	slt.u32 s8, $0xFFFFF086  }
0x1c: {  	p1 =	slt.u32 s9, $0xF7A;
	s5 =	simm.s32 @!p2 $0x0  }
0x1d: {  	s5 =	simm.s32 @p1 $0x1;
	p0 =	seq.s32 s7, s2  }
0x1e: {  	s7 =	smul.u32 @!p0 $0xF7A, s2;
	p2 =	seq.s32 @!p0 s5, $0x0  }
0x1f: {  	s9 =	smul.u32 $0xF7A, s1;
	s8 =	simm.s32 @!p0 $0x1BF5;
	p2 =	por !p2, p0  }
0x20: {  	[sflag:s8] =	ssyncset.s32 @!p0 $0xFFFFF086;
	s6 =	sadd.s32 @!p0 s3, s7;
	s7 =	simm.s32 @!p0 $0x108  }
0x21: {  	s3 =	sadd.s32 s3, s9;
	s6 =	sadd.s32 @!p0 $0x88, s6;
	s7 =	simm.s32 @p2 $0x1082  }
0x22: {  	[simem:s7], [sflag:s8] =	dma.local @!p0 [hbm:s6], $0xF7A  }
0x23: {  	s9 =	sor.u32 $0xD0000000, s2;
	s6 =	simm.s32 $0x108;
	_ =	swait.ge @!p0 [sflag:s8], $0x0  }
0x24: {  	s3 =	sadd.s32 $0x88, s3;
	s6 =	simm.s32 @!p1 $0x1082;
	[sflag:s4] =	ssyncset.s32 $0xFFFFF086  }
0x25: {  	[simem:s6], [sflag:s4] =	dma.local [hbm:s3], $0xF7A  }
0x26: {  	[smem:$0x3F96] =	sst s1;
	(tag) =	ssettag s2;
	_ =	strace s9  }
0x27: {  	s1 =	sld [smem:$0x3FA6]  }
0x28: {  	s2 =	sld [smem:$0x3FA7]  }
0x29: {  	s4 =	sld [smem:$0x3FA9]  }
0x2a: {  	p0 =	seq.s32 s5, $0x0;
	s5 =	sld [smem:$0x3FAA]  }
0x2b: {  	s6 =	sld [smem:$0x3FAB]  }
0x2c: {  	s7 =	sld [smem:$0x3FAC]  }
0x2d: {  	s3 =	simm.s32 $0x108;
	s8 =	sld [smem:$0x3FAD]  }
0x2e: {  	s3 =	simm.s32 @!p0 $0x1082;
	s9 =	sld [smem:$0x3FAE]  }
0x2f: {  	lr =	sadd.s32 s0, s3;
	s0 =	sld [smem:$0x3FA5]  }
0x30: {  	s3 =	sld [smem:$0x3FA8]  }
0x31: {  	[smem:$0x3FB1] =	sst s10  }
0x32: {  	s10 =	sld [smem:$0x3FAF];
	_ =	sdelay $0x3  }
0x33: {  	p0 =	seq.s32 s10, $0x1;
	s10 =	sld [smem:$0x3FB1];
	_ =	sdelay $0x3  }
0x34: {  	[smem:$0x3FB1] =	sst s10  }
0x35: {  	s10 =	sld [smem:$0x3FB0];
	_ =	sdelay $0x3  }
0x36: {  	p1 =	seq.s32 s10, $0x1;
	s10 =	sld [smem:$0x3FB1];
	_ =	sdelay $0x3  }
0x37: {  	[smem:$0x3FB1] =	sst s10  }
0x38: {  	s10 =	sld [smem:$0x3FB2]  }
0x39: {  	_ = 	snop;
	(pc) =	sbr.ind lr, $3  }
0x3a: {  	_ = 	snop  }
0x3b: {  	_ = 	snop  }
0x3c: {  	p2 =	seq.s32 s10, $0x1;
	s10 =	sld [smem:$0x3FB1]  }
0x3d: {  	_ =	shalt  }
0x3e: {  	_ =	shalt  }
0x3f: {  	_ =	shalt  }
0x40: {  	_ =	shalt  }
0x41: {  	_ =	shalt  }
0x42: {  	_ =	shalt  }
0x43: {  	_ =	shalt  }
0x44: {  	_ =	shalt  }
0x45: {  	_ =	shalt  }
0x46: {  	_ =	shalt  }
0x47: {  	_ =	shalt  }
0x48: {  	_ =	shalt  }
0x49: {  	_ =	shalt  }
0x4a: {  	_ =	shalt  }
0x4b: {  	_ =	shalt  }
0x4c: {  	_ =	shalt  }
0x4d: {  	_ =	shalt  }
0x4e: {  	_ =	shalt  }
0x4f: {  	_ =	shalt  }
0x50: {  	_ =	shalt  }
0x51: {  	_ =	shalt  }
0x52: {  	_ =	shalt  }
0x53: {  	_ =	shalt  }
0x54: {  	_ =	shalt  }
0x55: {  	_ =	shalt  }
0x56: {  	_ =	shalt  }
0x57: {  	_ =	shalt  }
0x58: {  	_ =	shalt  }
0x59: {  	_ =	shalt  }
0x5a: {  	_ =	shalt  }
0x5b: {  	_ =	shalt  }
0x5c: {  	_ =	shalt  }
0x5d: {  	_ =	shalt  }
0x5e: {  	_ =	shalt  }
0x5f: {  	_ =	shalt  }
0x60: {  	_ =	shalt  }
0x61: {  	_ =	shalt  }
0x62: {  	_ =	shalt  }
0x63: {  	_ =	shalt  }
0x64: {  	_ =	shalt  }
0x65: {  	_ =	shalt  }
0x66: {  	_ =	shalt  }
0x67: {  	_ =	shalt  }
0x68: {  	_ =	shalt  }
0x69: {  	_ =	shalt  }
0x6a: {  	_ =	shalt  }
0x6b: {  	_ =	shalt  }
0x6c: {  	_ =	shalt  }
0x6d: {  	_ =	shalt  }
0x6e: {  	_ =	shalt  }
0x6f: {  	_ =	shalt  }
0x70: {  	_ =	shalt  }
0x71: {  	_ =	shalt  }
0x72: {  	_ =	shalt  }
0x73: {  	_ =	shalt  }
0x74: {  	_ =	shalt  }
0x75: {  	_ =	shalt  }
0x76: {  	_ =	shalt  }
0x77: {  	_ =	shalt  }
0x78: {  	_ =	shalt  }
0x79: {  	_ =	shalt  }
0x7a: {  	_ =	shalt  }
0x7b: {  	_ =	shalt  }
0x7c: {  	_ =	shalt  }
0x7d: {  	_ =	shalt  }
0x7e: {  	_ =	shalt  }
0x7f: {  	_ =	shalt  }
0x80: {  	_ =	shalt  }
0x81: {  	_ =	shalt  }
0x82: {  	_ =	shalt  }
0x83: {  	_ =	shalt  }
0x84: {  	_ =	shalt  }
0x85: {  	_ =	shalt  }
0x86: {  	_ =	shalt  }
0x87: {  	_ =	shalt  }
.Lfunc_end0:
.L_simem_size_0:
called_computation_lowered:
.L_overlay_start_0:
0x88: {  	s2 =	sld [smem:$0x3FD9]  }
0x89: {  	s3 =	sld [smem:$0x3FFE];
	_ =	sdelay $0x1  }
0x8a: {  	s1 =	srdreg.scid  }
0x8b: {  	s0 =	sand.u32 $0x1, s1  }
0x8c: {  	s14 =	sshll.u32 s0, $0xA;
	s2 =	sadd.s32 s3, s2  }
0x8d: {  	s2 =	sadd.s32 s2, s14  }
0x8e: {  	[smem:$0x3FBD] =	sst s2  }
0x8f: {  	_ = 	snop  }
0x90: {  	s2 =	sld [smem:$0x3FD0];
	_ =	sdelay $0x2  }
0x91: {  	s15 =	simm.s32 $0xA;
	s4 =	simm.s32 $0x10  }
0x92: {  	[smem:s4], [sflag:s15] =	dma.local [hbm:s2], $0x1  }
0x93: {  	_ =	swait.eq [sflag:s15], $0x1  }
0x94: {  	[sflag:s15] =	ssyncset.done $0x0  }
0x95: {  	s16 =	sld [smem:$0x10];
	[sflag:s15] =	ssyncadd.s32 $0xFFFFFFFF  }
0x96: {  	s17 =	sld [smem:$0x11];
	(tm) =	ssettm $0x1  }
0x97: {  	s18 =	sld [smem:$0x3FFB];
	_ =	sdelay $0x3  }
0x98: {  	_ =	strace s18  }
0x99: {  	s4 =	sld [smem:$0x3FFC];
	_ =	sdelay $0x3  }
0x9a: {  	_ =	strace s4  }
0x9b: {  	s4 =	sld [smem:$0x3FFD];
	_ =	sdelay $0x3  }
0x9c: {  	_ =	strace s4  }
0x9d: {  	_ =	strace $0x8FFFFFFF  }
0x9e: {  	s19 =	sld [smem:$0x3FDB];
	_ =	sdelay $0x1  }
0x9f: {  	s5 =	simm.s32 $_scs_section_size  }
0xa0: {  	s6 =	simm.s32 $_size__tile_overlayer_lowered;
	s7 =	simm.s32 $_tile_overlayer_lowered  }
0xa1: {  	s22 =	simm.s32 $0x1BFF;
	s21 =	sshll.u32 s7, $0x1;
	s4 =	sadd.s32 s5, s19  }
0xa2: {  	s8 =	simm.s32 $0x0;
	s20 =	sshll.u32 s6, $0x1;
	s6 =	sadd.s32 s21, s4  }
0xa3: {  	[timem:s8], [sflag:s22] =	dma.local [hbm:s6], s20  }
0xa4: {  	_ =	swait.ge [sflag:s22], s20  }
0xa5: {  	s5 =	ssub.s32 $0x0, s20;
	[sflag:s22] =	ssyncset.done $0x0  }
0xa6: {  	[sflag:s22] =	ssyncadd.s32 s5;
	_ =	sdelay $0x1  }
0xa7: {  	s23 =	simm.s32 $0x1B8B  }
0xa8: {  	_ =	swait.ge [sflag:s23], $0x1  }
0xa9: {  	[sflag:s23] =	ssyncset.done $0x0  }
0xaa: {  	s25 =	simm.s32 $0x1B8E;
	s24 =	sld [smem:$0x3FFE];
	[sflag:s23] =	ssyncadd.s32 $0xFFFFFFFF  }
0xab: {  	s26 =	simm.s32 $execute0_lowered;
	[smem:$0x3FD2] =	sst s25  }
0xac: {  	s6 =	sshll.u32 s26, $0x1;
	_ =	strace $0x80000046;
	[dreg:$0x1] =	wrdreg $0xFFFFFFFF  }
0xad: {  	s28 =	simm.s32 $_size_execute0_lowered;
	s4 =	sadd.s32 s4, s6;
	[dreg:$0x0] =	wrdreg $0x0  }
0xae: {  	s6 =	sshll.u32 s28, $0x1;
	[dreg:$0x2] =	wrdreg s4  }
0xaf: {  	[dreg:$0x3] =	wrdreg s6  }
0xb0: {  	[dreg:$0x4] =	wrdreg $0xC0  }
0xb1: {  	_ =	task [dreg:s8], $0x5FFFF  }
0xb2: {  	[dreg:$0x1] =	wrdreg $0xFFFFFFFF  }
0xb3: {  	[dreg:$0x0] =	wrdreg $0x60  }
0xb4: {  	[dreg:$0x2] =	wrdreg s16  }
0xb5: {  	[dreg:$0x3] =	wrdreg s24  }
0xb6: {  	[dreg:$0x4] =	wrdreg s17  }
0xb7: {  	[dreg:$0x5] =	wrdreg $0x9  }
0xb8: {  	_ =	task.clear_ibuf [dreg:s8], $0x6FFFF;
	_ =	strace $0x90000046  }
0xb9: {  	s29 =	simm.s32 $0x9;
	_ =	strace $0x80000048  }
0xba: {  	_ =	swait.ge [sflag:s29], $0x1  }
0xbb: {  	[sflag:s29] =	ssyncadd.s32 $0xFFFFFFFF  }
0xbc: {  	_ =	strace $0x90000048  }
0xbd: {  	_ =	sfence  }
0xbe: {  	s30 =	sld [smem:$0x0];
	_ =	sdelay $0x2  }
0xbf: {  	s31 =	sshll.u32 s1, $0xD;
	s1 =	sshrl.u32 s1, $0x2  }
0xc0: {  	s3 =	sand.u32 $0x4000, s31;
	s1 =	sadd.s32 s1, s30  }
0xc1: {  	s0 =	sor.u32 s3, s0;
	s1 =	sshll.u32 s1, $0x11  }
0xc2: {  	s0 =	sor.u32 s1, s0  }
0xc3: {  	s0 =	sadd.s32 $0x8F2B, s0  }
0xc4: {  	[sflag:s0] =	ssyncadd.remote.s32 $0x1  }
0xc5: {  	_ =	sfence.sel $0xFFFF  }
0xc6: {  	[dreg:$0x0] =	wrdreg $0xFFFFFFFF;
	(pc) =	sbr.abs _section_cstart, $3  }
0xc7: {  	[dreg:$0x1] =	wrdreg $0xFFFFFFFF  }
0xc8: {  	_ =	task.clear_ibuf [dreg:s8], $0x2FFFF;
	_ =	strace $0x9FFFFFFF  }
0xc9: {  	(tm) =	ssettm $0x7FFFFFFF  }
tec
execute0_lowered:
.L_overlay_start_1:
0x0: {  	(tag) =	ssettag $0x1  }
0x1: {  	s1 =	rddreg [dreg:$0x0];
	s2 =	srdreg.scid  }
0x2: {  	s0 =	stileid.u32;
	s4 =	rddreg [dreg:$0x1]  }
0x3: {  	s6 =	rddreg [dreg:$0x2];
	s3 =	simm.s32 $0x0;
	s11 =	simm.s32 $0x3C00  }
0x4: {  	s12 =	simm.s32 $0x5000;
	s13 =	simm.s32 $0x6400;
	s14 =	simm.s32 $0x1  }
0x5: {  	s15 =	simm.s32 $0x0;
	s5 =	sand.u32 $0x1, s2;
	s2 =	rddreg [dreg:$0x3]  }
0x6: {  	s30 =	sshll.u32 s0, $0x1;
	[smem:$0x7FF] =	sst s3;
	s8 =	smul.u32 $0x27100, s0  }
0x7: {  	s7 =	sor.u32 s5, s30;
	s9 =	ssub.s32 $0x2, s5;
	s5 =	smul.u32 $0x13880, s5  }
0x8: {  	_ =	strace $0x80000047;
	s7 =	smul.u32 $0x1388, s7;
	s10 =	sshrl.u32 s9, $0x1  }
0x9: {  	s6 =	sadd.s32 s8, s6;
	s8 =	simm.s32 $0x28;
	s31 =	ssub.s32 s9, s10  }
0xa: {  	s6 =	sadd.s32 s5, s6;
	s9 =	simm.s32 $0x1400;
	s7 =	sshrl.u32 s7, $0x3  }
0xb: {  	s10 =	simm.s32 $0x2800;
	s5 =	smax.u32 s31, $0x1;
	s4 =	sadd.s32 s7, s4  }
0xc: {  	s6 =	sadd.s32 $0xA00, s6;
	s7 =	simm.s32 $0x2;
	s4 =	sadd.s32 $0x2600, s4  }
.LBB2_1:
0xd: {  	[tilespmem:s3], [sflag:$0x2] =	stream.linear.gather [hbm4b:s4+s3], $0x1388, $0x38;
	[tilespmem:$0x7800] =	vst v63  }
0xe: {  	_ =	swait.ge [sflag:s7], $0x1388  }
0xf: {  	[sflag:s7] =	ssyncset.done $0x0  }
0x10: {  	s16 =	simm.s32 $0x0;
	[sflag:s7] =	ssyncadd.s32 $0xFFFFEC78  }
0x11: {  	[tilespmem:s9], [sflag:$0x1] =	stream.indirect.gather [hbm4b:s1+s8], $0x80, s16, s8, $0xb8;
	[tilespmem:$0x7800] =	vst v63  }
0x12: {  	s23 =	simm.s32 $0x28  }
0x13: {  	[tilespmem:s10], [sflag:$0x1] =	stream.indirect.gather [hbm4b:s1+s8], $0x80, s23, s8, $0xb8;
	[tilespmem:$0x7800] =	vst v63  }
0x14: {  	s24 =	simm.s32 $0x50  }
0x15: {  	[tilespmem:s11], [sflag:$0x1] =	stream.indirect.gather [hbm4b:s1+s8], $0x80, s24, s8, $0xb8;
	[tilespmem:$0x7800] =	vst v63  }
0x16: {  	s25 =	simm.s32 $0x78  }
0x17: {  	[tilespmem:s12], [sflag:$0x1] =	stream.indirect.gather [hbm4b:s1+s8], $0x80, s25, s8, $0xb8;
	[tilespmem:$0x7800] =	vst v63  }
0x18: {  	s26 =	simm.s32 $0xA0  }
0x19: {  	[tilespmem:s13], [sflag:$0x1] =	stream.indirect.gather [hbm4b:s1+s8], $0x80, s26, s8, $0xb8;
	[tilespmem:$0x7800] =	vst v63  }
0x1a: {  	_ =	swait.ge [sflag:s14], $0x1400  }
0x1b: {  	[sflag:s14] =	ssyncset.done $0x0  }
0x1c: {  	s28 =	sadd.s32 $0xFFFFF600, s6;
	[sflag:s14] =	ssyncadd.s32 $0xFFFFEC00  }
0x1d: {  	[hbm4b:s28+s3] =	stream.linear.scatter [tilespmem:s9], [sflag:$0x2], $0x1400, $0x38;
	[tilespmem:$0x7800] =	vst v63  }
0x1e: {  	_ =	swait.ge [sflag:s7], $0x1400  }
0x1f: {  	[sflag:s7] =	ssyncset.done $0x0  }
0x20: {  	[sflag:s7] =	ssyncadd.s32 $0xFFFFEC00  }
0x21: {  	_ =	swait.ge [sflag:s14], $0x1400  }
0x22: {  	[sflag:s14] =	ssyncset.done $0x0  }
0x23: {  	s29 =	sadd.s32 $0xFFFFF880, s6;
	[sflag:s14] =	ssyncadd.s32 $0xFFFFEC00  }
0x24: {  	[hbm4b:s29+s3] =	stream.linear.scatter [tilespmem:s10], [sflag:$0x2], $0x1400, $0x38;
	[tilespmem:$0x7800] =	vst v63  }
0x25: {  	_ =	swait.ge [sflag:s7], $0x1400  }
0x26: {  	[sflag:s7] =	ssyncset.done $0x0  }
0x27: {  	[sflag:s7] =	ssyncadd.s32 $0xFFFFEC00  }
0x28: {  	_ =	swait.ge [sflag:s14], $0x1400  }
0x29: {  	[sflag:s14] =	ssyncset.done $0x0  }
0x2a: {  	s30 =	sadd.s32 $0xFFFFFB00, s6;
	[sflag:s14] =	ssyncadd.s32 $0xFFFFEC00  }
0x2b: {  	[hbm4b:s30+s3] =	stream.linear.scatter [tilespmem:s11], [sflag:$0x2], $0x1400, $0x38;
	[tilespmem:$0x7800] =	vst v63  }
0x2c: {  	_ =	swait.ge [sflag:s7], $0x1400  }
0x2d: {  	[sflag:s7] =	ssyncset.done $0x0  }
0x2e: {  	[sflag:s7] =	ssyncadd.s32 $0xFFFFEC00  }
0x2f: {  	_ =	swait.ge [sflag:s14], $0x1400  }
0x30: {  	[sflag:s14] =	ssyncset.done $0x0  }
0x31: {  	s31 =	sadd.s32 $0xFFFFFD80, s6;
	[sflag:s14] =	ssyncadd.s32 $0xFFFFEC00  }
0x32: {  	[hbm4b:s31+s3] =	stream.linear.scatter [tilespmem:s12], [sflag:$0x2], $0x1400, $0x38;
	[tilespmem:$0x7800] =	vst v63  }
0x33: {  	_ =	swait.ge [sflag:s7], $0x1400  }
0x34: {  	[sflag:s7] =	ssyncset.done $0x0  }
0x35: {  	[sflag:s7] =	ssyncadd.s32 $0xFFFFEC00  }
0x36: {  	_ =	swait.ge [sflag:s14], $0x1400  }
0x37: {  	[sflag:s14] =	ssyncset.done $0x0  }
0x38: {  	[sflag:s14] =	ssyncadd.s32 $0xFFFFEC00  }
0x39: {  	[hbm4b:s6+s3] =	stream.linear.scatter [tilespmem:s13], [sflag:$0x2], $0x1400, $0x38;
	[tilespmem:$0x7800] =	vst v63  }
0x3a: {  	s17 =	simm.s32 $0x320;
	_ =	swait.ge [sflag:s7], $0x1400  }
0x3b: {  	s19 =	simm.s32 $0x640;
	s16 =	sadd.s32 $0xC80, s6;
	[sflag:s7] =	ssyncset.done $0x0  }
.LBB2_2:
0x3c: {  	s20 =	sshra.s32 s17, $0x2  }
0x3d: {  	[sflag:s7] =	ssyncadd.s32 $0xFFFFEC00;
	s17 =	smov.u32 s19;
	s18 =	sadd.s32 $0x320, s19  }
0x3e: {  	[tilespmem:s9], [sflag:$0x1] =	stream.indirect.gather [hbm4b:s1+s8], $0x80, s20, s8, $0xb8;
	[tilespmem:$0x7800] =	vst v63  }
0x3f: {  	p0 =	sne.s32 s19, $0x4B00;
	s19 =	sadd.s32 $0x28, s20  }
0x40: {  	[tilespmem:s10], [sflag:$0x1] =	stream.indirect.gather [hbm4b:s1+s8], $0x80, s19, s8, $0xb8;
	[tilespmem:$0x7800] =	vst v63  }
0x41: {  	s19 =	sadd.s32 $0x50, s20  }
0x42: {  	[tilespmem:s11], [sflag:$0x1] =	stream.indirect.gather [hbm4b:s1+s8], $0x80, s19, s8, $0xb8;
	[tilespmem:$0x7800] =	vst v63  }
0x43: {  	s19 =	sadd.s32 $0x78, s20  }
0x44: {  	[tilespmem:s12], [sflag:$0x1] =	stream.indirect.gather [hbm4b:s1+s8], $0x80, s19, s8, $0xb8;
	[tilespmem:$0x7800] =	vst v63  }
0x45: {  	s19 =	sadd.s32 $0xA0, s20  }
0x46: {  	[tilespmem:s13], [sflag:$0x1] =	stream.indirect.gather [hbm4b:s1+s8], $0x80, s19, s8, $0xb8;
	[tilespmem:$0x7800] =	vst v63  }
0x47: {  	_ =	swait.ge [sflag:s14], $0x1400  }
0x48: {  	[sflag:s14] =	ssyncset.done $0x0  }
0x49: {  	s19 =	sadd.s32 $0xFFFFF600, s16;
	[sflag:s14] =	ssyncadd.s32 $0xFFFFEC00  }
0x4a: {  	[hbm4b:s19+s3] =	stream.linear.scatter [tilespmem:s9], [sflag:$0x2], $0x1400, $0x38;
	[tilespmem:$0x7800] =	vst v63  }
0x4b: {  	_ =	swait.ge [sflag:s7], $0x1400  }
0x4c: {  	[sflag:s7] =	ssyncset.done $0x0  }
0x4d: {  	[sflag:s7] =	ssyncadd.s32 $0xFFFFEC00  }
0x4e: {  	_ =	swait.ge [sflag:s14], $0x1400  }
0x4f: {  	[sflag:s14] =	ssyncset.done $0x0  }
0x50: {  	s19 =	sadd.s32 $0xFFFFF880, s16;
	[sflag:s14] =	ssyncadd.s32 $0xFFFFEC00  }
0x51: {  	[hbm4b:s19+s3] =	stream.linear.scatter [tilespmem:s10], [sflag:$0x2], $0x1400, $0x38;
	[tilespmem:$0x7800] =	vst v63  }
0x52: {  	_ =	swait.ge [sflag:s7], $0x1400  }
0x53: {  	[sflag:s7] =	ssyncset.done $0x0  }
0x54: {  	[sflag:s7] =	ssyncadd.s32 $0xFFFFEC00  }
0x55: {  	_ =	swait.ge [sflag:s14], $0x1400  }
0x56: {  	[sflag:s14] =	ssyncset.done $0x0  }
0x57: {  	s19 =	sadd.s32 $0xFFFFFB00, s16;
	[sflag:s14] =	ssyncadd.s32 $0xFFFFEC00  }
0x58: {  	[hbm4b:s19+s3] =	stream.linear.scatter [tilespmem:s11], [sflag:$0x2], $0x1400, $0x38;
	[tilespmem:$0x7800] =	vst v63  }
0x59: {  	_ =	swait.ge [sflag:s7], $0x1400  }
0x5a: {  	[sflag:s7] =	ssyncset.done $0x0  }
0x5b: {  	[sflag:s7] =	ssyncadd.s32 $0xFFFFEC00  }
0x5c: {  	_ =	swait.ge [sflag:s14], $0x1400  }
0x5d: {  	[sflag:s14] =	ssyncset.done $0x0  }
0x5e: {  	s19 =	sadd.s32 $0xFFFFFD80, s16;
	[sflag:s14] =	ssyncadd.s32 $0xFFFFEC00  }
0x5f: {  	[hbm4b:s19+s3] =	stream.linear.scatter [tilespmem:s12], [sflag:$0x2], $0x1400, $0x38;
	[tilespmem:$0x7800] =	vst v63  }
0x60: {  	_ =	swait.ge [sflag:s7], $0x1400  }
0x61: {  	[sflag:s7] =	ssyncset.done $0x0  }
0x62: {  	[sflag:s7] =	ssyncadd.s32 $0xFFFFEC00  }
0x63: {  	_ =	swait.ge [sflag:s14], $0x1400  }
.Ltmp0:
0x64: {  	[sflag:s14] =	ssyncset.done $0x0;
	(pc) =	sbr.rel @p0 .LBB2_2-.Ltmp0, $4  }
0x65: {  	[sflag:s14] =	ssyncadd.s32 $0xFFFFEC00  }
0x66: {  	[hbm4b:s16+s3] =	stream.linear.scatter [tilespmem:s13], [sflag:$0x2], $0x1400, $0x38;
	[tilespmem:$0x7800] =	vst v63  }
0x67: {  	_ =	swait.ge [sflag:s7], $0x1400  }
0x68: {  	s19 =	smov.u32 s18;
	s16 =	sadd.s32 $0xC80, s16;
	[sflag:s7] =	ssyncset.done $0x0  }
0x69: {  	s17 =	sshra.s32 s17, $0x2;
	[sflag:s7] =	ssyncadd.s32 $0xFFFFEC00  }
0x6a: {  	[tilespmem:s9], [sflag:$0x1] =	stream.indirect.gather [hbm4b:s1+s8], $0x80, s17, s8, $0xb8;
	[tilespmem:$0x7800] =	vst v63  }
0x6b: {  	s18 =	sadd.s32 $0x28, s17  }
0x6c: {  	[tilespmem:s10], [sflag:$0x1] =	stream.indirect.gather [hbm4b:s1+s8], $0x80, s18, s8, $0xb8;
	[tilespmem:$0x7800] =	vst v63  }
0x6d: {  	s25 =	sadd.s32 $0x50, s17  }
0x6e: {  	[tilespmem:s11], [sflag:$0x1] =	stream.indirect.gather [hbm4b:s1+s8], $0x80, s25, s8, $0xb8;
	[tilespmem:$0x7800] =	vst v63  }
0x6f: {  	s26 =	sadd.s32 $0x78, s17  }
0x70: {  	[tilespmem:s12], [sflag:$0x1] =	stream.indirect.gather [hbm4b:s1+s8], $0x80, s26, s8, $0xb8;
	[tilespmem:$0x7800] =	vst v63  }
0x71: {  	s17 =	sadd.s32 $0xA0, s17  }
0x72: {  	[tilespmem:s13], [sflag:$0x1] =	stream.indirect.gather [hbm4b:s1+s8], $0x80, s17, s8, $0xb8;
	[tilespmem:$0x7800] =	vst v63  }
0x73: {  	_ =	swait.ge [sflag:s14], $0x1400  }
0x74: {  	[sflag:s14] =	ssyncset.done $0x0  }
0x75: {  	s28 =	sadd.s32 $0xFFFFF600, s16;
	[sflag:s14] =	ssyncadd.s32 $0xFFFFEC00  }
0x76: {  	[hbm4b:s28+s3] =	stream.linear.scatter [tilespmem:s9], [sflag:$0x2], $0x1400, $0x38;
	[tilespmem:$0x7800] =	vst v63  }
0x77: {  	_ =	swait.ge [sflag:s7], $0x1400  }
0x78: {  	[sflag:s7] =	ssyncset.done $0x0  }
0x79: {  	[sflag:s7] =	ssyncadd.s32 $0xFFFFEC00  }
0x7a: {  	_ =	swait.ge [sflag:s14], $0x1400  }
0x7b: {  	[sflag:s14] =	ssyncset.done $0x0  }
0x7c: {  	s29 =	sadd.s32 $0xFFFFF880, s16;
	[sflag:s14] =	ssyncadd.s32 $0xFFFFEC00  }
0x7d: {  	[hbm4b:s29+s3] =	stream.linear.scatter [tilespmem:s10], [sflag:$0x2], $0x1400, $0x38;
	[tilespmem:$0x7800] =	vst v63  }
0x7e: {  	_ =	swait.ge [sflag:s7], $0x1400  }
0x7f: {  	[sflag:s7] =	ssyncset.done $0x0  }
0x80: {  	[sflag:s7] =	ssyncadd.s32 $0xFFFFEC00  }
0x81: {  	_ =	swait.ge [sflag:s14], $0x1400  }
0x82: {  	[sflag:s14] =	ssyncset.done $0x0  }
0x83: {  	s30 =	sadd.s32 $0xFFFFFB00, s16;
	[sflag:s14] =	ssyncadd.s32 $0xFFFFEC00  }
0x84: {  	[hbm4b:s30+s3] =	stream.linear.scatter [tilespmem:s11], [sflag:$0x2], $0x1400, $0x38;
	[tilespmem:$0x7800] =	vst v63  }
0x85: {  	_ =	swait.ge [sflag:s7], $0x1400  }
0x86: {  	[sflag:s7] =	ssyncset.done $0x0  }
0x87: {  	[sflag:s7] =	ssyncadd.s32 $0xFFFFEC00  }
0x88: {  	_ =	swait.ge [sflag:s14], $0x1400  }
0x89: {  	[sflag:s14] =	ssyncset.done $0x0  }
0x8a: {  	s31 =	sadd.s32 $0xFFFFFD80, s16;
	[sflag:s14] =	ssyncadd.s32 $0xFFFFEC00  }
0x8b: {  	[hbm4b:s31+s3] =	stream.linear.scatter [tilespmem:s12], [sflag:$0x2], $0x1400, $0x38;
	[tilespmem:$0x7800] =	vst v63  }
0x8c: {  	_ =	swait.ge [sflag:s7], $0x1400  }
0x8d: {  	[sflag:s7] =	ssyncset.done $0x0  }
0x8e: {  	[sflag:s7] =	ssyncadd.s32 $0xFFFFEC00  }
0x8f: {  	s15 =	sadd.s32 $0x1, s15;
	_ =	swait.ge [sflag:s14], $0x1400  }
0x90: {  	p0 =	sne.s32 s15, s5;
	[sflag:s14] =	ssyncset.done $0x0  }
.Ltmp1:
0x91: {  	[sflag:s14] =	ssyncadd.s32 $0xFFFFEC00;
	(pc) =	sbr.rel @p0 .LBB2_1-.Ltmp1, $4  }
0x92: {  	[hbm4b:s16+s3] =	stream.linear.scatter [tilespmem:s13], [sflag:$0x2], $0x1400, $0x38;
	[tilespmem:$0x7800] =	vst v63  }
0x93: {  	_ =	swait.ge [sflag:s7], $0x1400  }
0x94: {  	[sflag:s7] =	ssyncset.done $0x0  }
0x95: {  	[sflag:s7] =	ssyncadd.s32 $0xFFFFEC00  }
0x96: {  	_ =	sfence.sel $0x180000  }
0x97: {  	[bflag:$0x0] =	sbarrier.arrive $0xFFFF  }
0x98: {  	p0 =	sne.s32 s0, $0x0;
	_ =	strace $0x90000047  }
0x99: {  	s0 =	sadd.s32 @!p0 $0x100000, s2;
	[bflag:$0x2] =	sbarrier.arrive $0xFFFF  }
0x9a: {  	[sflag:s0] =	ssyncadd.tile.s32 @!p0 $0x1;
	_ =	shalt  }
.Lfunc_end2:
_tile_overlayer_lowered:
.L_overlay_start_2:
0x9b: {  	(tag) =	ssettag $0x2  }
0x9c: {  	s0 =	rddreg [dreg:$0x0];
	s2 =	stileid.u32  }
0x9d: {  	s1 =	rddreg [dreg:$0x1];
	p0 =	sne.s32 s2, $0x0  }
0x9e: {  	s3 =	rddreg [dreg:$0x2];
	[bflag:$0x3] =	sbarrier.arrive $0xFFFF;
	s2 =	simm.s32 @!p0 $0x1C02  }
0x9f: {  	[timem:s3], [sflag:s2] =	dma.local @!p0 [hbm:s0], s1  }
0xa0: {  	s0 =	simm.s32 @!p0 $0x2  }
0xa1: {  	_ =	swait.ge @!p0 [sflag:s0], s1  }
0xa2: {  	s1 =	ssub.s32 @!p0 $0x0, s1;
	[sflag:s0] =	ssyncset.done @!p0 $0x0  }
0xa3: {  	[sflag:s0] =	ssyncadd.s32 @!p0 s1  }
0xa4: {  	[bflag:$0x3] =	sbarrier.arrive $0xFFFF  }
0xa5: {  	_ =	shalt  }

</sc_bundles>
